<compile_context>
chip_gen: v7x
topology: tpu7x:2x2x1
jax: 0.10.2.dev20260603
libtpu: 0.0.44.dev20260713+nightly
codegen_flags: <defaults>
</compile_context>

<pallas_src>
import functools

import jax
import jax.numpy as jnp
from jax import lax
from jax.experimental import pallas as pl
from jax.experimental.pallas import tpu as pltpu
from jax.experimental.pallas import tpu_sc as plsc

_NBUF = 4


def _make_kernel(B, L, V, D, NW, b_per_w):
    NC = 2
    NS = 16
    mesh = plsc.VectorSubcoreMesh(
        core_axis_name="c", subcore_axis_name="s", num_cores=NC, num_subcores=NS
    )
    nvec = D // 16
    n_grp = b_per_w // _NBUF

    @functools.partial(
        pl.kernel,
        mesh=mesh,
        out_type=jax.ShapeDtypeStruct((B, D), jnp.float32),
        compiler_params=pltpu.CompilerParams(use_tc_tiling_on_sc=False),
        scratch_types=[
            pltpu.VMEM((b_per_w, L), jnp.int32),
            pltpu.VMEM((_NBUF, L, D), jnp.float32),
            pltpu.VMEM((b_per_w, D), jnp.float32),
            [pltpu.SemaphoreType.DMA] * _NBUF,
        ],
    )
    def k(ids_hbm, table_hbm, out_hbm, idx_v, buf_v, out_v, sems):
        wid = lax.axis_index("s") * NC + lax.axis_index("c")
        inv_l = jnp.float32(1.0 / L)

        pltpu.sync_copy(ids_hbm.at[pl.ds(wid * b_per_w, b_per_w)], idx_v)

        def start(b, slot):
            pltpu.async_copy(table_hbm.at[idx_v.at[b]], buf_v.at[slot], sems[slot])

        def drain(slot):
            pltpu.make_async_copy(
                table_hbm.at[idx_v.at[0]], buf_v.at[slot], sems[slot]
            ).wait()

        def reduce_buf(slot, b):
            zeros = tuple(jnp.zeros((16,), jnp.float32) for _ in range(2 * nvec))

            def body(r, a):
                out = []
                for q in range(nvec):
                    out.append(a[q] + buf_v[slot, 2 * r, pl.ds(q * 16, 16)])
                for q in range(nvec):
                    out.append(a[nvec + q] + buf_v[slot, 2 * r + 1, pl.ds(q * 16, 16)])
                return tuple(out)

            acc = lax.fori_loop(0, L // 2, body, zeros, unroll=2)
            for q in range(nvec):
                out_v[b, pl.ds(q * 16, 16)] = (acc[q] + acc[nvec + q]) * inv_l

        for i in range(_NBUF):
            start(i, i)

        def outer(g, carry):
            del carry
            for i in range(_NBUF):
                b = g * _NBUF + i
                drain(i)
                reduce_buf(i, b)

                @pl.when(b < b_per_w - _NBUF)
                def _():
                    start(b + _NBUF, i)

            return 0

        lax.fori_loop(0, n_grp, outer, 0)

        pltpu.sync_copy(out_v, out_hbm.at[pl.ds(wid * b_per_w, b_per_w)])

    return k


def kernel(input_ids, pretrained_embeddings):
    B, L = input_ids.shape
    V, D = pretrained_embeddings.shape
    NW = 32
    b_per_w = B // NW
    k = _make_kernel(B, L, V, D, NW, b_per_w)
    return k(input_ids, pretrained_embeddings)

# --- scband reference (transcript-rebuilt; emitter-appended) ---
"""Pipeline reference for scband-baseline-encoder-26285199851837 (READ-ONLY COPY).

The authoritative reference and input builder live on the scoring server;
editing this copy changes nothing except your own understanding.
"""

import jax, jax.numpy as jnp
import numpy as np

VOCAB = 1000000
EMBED_DIM = 64
BATCH = 4096
HIST_LEN = 200


def setup_inputs(seed: int = 0) -> dict:
    key = jax.random.key(seed)
    k1, k2 = jax.random.split(key)
    input_ids = jax.random.randint(k1, (BATCH, HIST_LEN), 0, VOCAB).astype(jnp.int32)
    # pretrained (frozen) embedding table materialized as a parameter
    pretrained_embeddings = jax.random.normal(k2, (VOCAB, EMBED_DIM), dtype=jnp.float32)
    return {"input_ids": input_ids, "pretrained_embeddings": pretrained_embeddings}


def reference(input_ids, pretrained_embeddings):
    # nn.Embedding lookup -> gather rows of the table
    emb = jnp.take(pretrained_embeddings, input_ids, axis=0)  # [B, L, D]
    # torch.mean(..., dim=1)
    return jnp.mean(emb, axis=1)  # [B, D]

if __name__ == "__main__":
    import jax
    _d = setup_inputs()
    print(jax.jit(kernel)(*tuple(_d.values())))

</pallas_src>

<mosaic_0001>
#map = affine_map<(d0, d1) -> (0, 0)>
module attributes {stable_mosaic.version = 14 : i64} {
  func.func @k(%arg0: i32, %arg1: i32, %arg2: memref<4096x200xi32, #tpu.memory_space<hbm>>, %arg3: memref<1000000x64xf32, #tpu.memory_space<hbm>>, %arg4: memref<4096x64xf32, #tpu.memory_space<hbm>>, %arg5: memref<128x200xi32, #tpu.memory_space<vmem>>, %arg6: memref<4x200x64xf32, #tpu.memory_space<vmem>>, %arg7: memref<128x64xf32, #tpu.memory_space<vmem>>, %arg8: memref<!tpu.dma_semaphore, #tpu.memory_space<semaphore_mem>>, %arg9: memref<!tpu.dma_semaphore, #tpu.memory_space<semaphore_mem>>, %arg10: memref<!tpu.dma_semaphore, #tpu.memory_space<semaphore_mem>>, %arg11: memref<!tpu.dma_semaphore, #tpu.memory_space<semaphore_mem>>) attributes {dimension_semantics = [#tpu.dimension_semantics<core_parallel>, #tpu.dimension_semantics<subcore_parallel>], iteration_bounds = array<i64: 2, 16>, scalar_prefetch = 0 : i64, scratch_operands = 7 : i64, tpu.core_type = #tpu.core_type<sc_vector_subcore>, window_params = [{transform_indices = #map}, {transform_indices = #map}, {transform_indices = #map}]} {
    %mul3A = arith.constant 2 : i32
    %mul3A_0 = arith.muli %arg1, %mul3A : i32
    %add3A = arith.addi %mul3A_0, %arg0 : i32
    %mul3A_1 = arith.constant 128 : i32
    %mul3A_2 = arith.muli %add3A, %mul3A_1 : i32
    "tpu.region"() ({
      %run_scoped3A = tpu.sem_alloc : memref<!tpu.dma_semaphore, #tpu.memory_space<semaphore_mem>>
      %dma_start3A_59 = arith.constant 0 : i32
      %dma_start3A_60 = tpu.memref_slice %arg2[%mul3A_2, %dma_start3A_59] : memref<4096x200xi32, #tpu.memory_space<hbm>> -> memref<128x200xi32, #tpu.memory_space<hbm>>
      %dma_start3A_61 = arith.constant 0 : i32
      %dma_start3A_62 = tpu.memref_slice %arg2[%mul3A_2, %dma_start3A_61] : memref<4096x200xi32, #tpu.memory_space<hbm>> -> memref<128x200xi32, #tpu.memory_space<hbm>>
      tpu.enqueue_dma source(%dma_start3A_62 : memref<128x200xi32, #tpu.memory_space<hbm>>) target(%arg5 : memref<128x200xi32, #tpu.memory_space<vmem>>) target_semaphore(%run_scoped3A : memref<!tpu.dma_semaphore, #tpu.memory_space<semaphore_mem>>)
      %dma_wait3A = arith.constant 0 : i32
      %dma_wait3A_63 = tpu.memref_slice %arg2[%mul3A_2, %dma_wait3A] : memref<4096x200xi32, #tpu.memory_space<hbm>> -> memref<128x200xi32, #tpu.memory_space<hbm>>
      %dma_wait3A_64 = arith.constant 0 : i32
      %dma_wait3A_65 = tpu.memref_slice %arg2[%mul3A_2, %dma_wait3A_64] : memref<4096x200xi32, #tpu.memory_space<hbm>> -> memref<128x200xi32, #tpu.memory_space<hbm>>
      tpu.wait_dma2 semaphore(%run_scoped3A : memref<!tpu.dma_semaphore, #tpu.memory_space<semaphore_mem>>) src(%dma_wait3A_65 : memref<128x200xi32, #tpu.memory_space<hbm>>) dst(%arg5 : memref<128x200xi32, #tpu.memory_space<vmem>>)
      tpu.yield
    }) : () -> ()
    %dma_start3A = arith.constant 0 : i32
    %dma_start3A_3 = arith.constant 0 : i32
    %dma_start3A_4 = arith.constant 0 : i32
    %dma_start3A_5 = arith.constant 0 : i32
    %dma_start3A_6 = tpu.memref_slice %arg6[%dma_start3A_3, %dma_start3A_4, %dma_start3A_5] : memref<4x200x64xf32, #tpu.memory_space<vmem>> -> memref<1x200x64xf32, #tpu.memory_space<vmem>>
    %dma_start3A_7 = tpu.memref_squeeze %dma_start3A_6 : memref<1x200x64xf32, #tpu.memory_space<vmem>> -> memref<200x64xf32, #tpu.memory_space<vmem>>
    %dma_start3A_8 = arith.constant 0 : i32
    %dma_start3A_9 = tpu.memref_slice %arg5[%dma_start3A, %dma_start3A_8] : memref<128x200xi32, #tpu.memory_space<vmem>> -> memref<1x200xi32, #tpu.memory_space<vmem>>
    %dma_start3A_10 = tpu.memref_squeeze %dma_start3A_9 : memref<1x200xi32, #tpu.memory_space<vmem>> -> memref<200xi32, #tpu.memory_space<vmem>>
    %dma_start3A_11 = arith.constant 0 : i32
    %dma_start3A_12 = arith.constant 0 : i32
    %dma_start3A_13 = tpu.memref_slice %arg3[%dma_start3A_11, %dma_start3A_12] : memref<1000000x64xf32, #tpu.memory_space<hbm>> -> memref<1000000x64xf32, #tpu.memory_space<hbm>>
    tpu.enqueue_indirect_dma source(%dma_start3A_13 : memref<1000000x64xf32, #tpu.memory_space<hbm>>) target(%dma_start3A_7 : memref<200x64xf32, #tpu.memory_space<vmem>>) offsets(%dma_start3A_10 : memref<200xi32, #tpu.memory_space<vmem>>) semaphore(%arg8 : memref<!tpu.dma_semaphore, #tpu.memory_space<semaphore_mem>>)
    %dma_start3A_14 = arith.constant 1 : i32
    %dma_start3A_15 = arith.constant 1 : i32
    %dma_start3A_16 = arith.constant 0 : i32
    %dma_start3A_17 = arith.constant 0 : i32
    %dma_start3A_18 = tpu.memref_slice %arg6[%dma_start3A_15, %dma_start3A_16, %dma_start3A_17] : memref<4x200x64xf32, #tpu.memory_space<vmem>> -> memref<1x200x64xf32, #tpu.memory_space<vmem>>
    %dma_start3A_19 = tpu.memref_squeeze %dma_start3A_18 : memref<1x200x64xf32, #tpu.memory_space<vmem>> -> memref<200x64xf32, #tpu.memory_space<vmem>>
    %dma_start3A_20 = arith.constant 0 : i32
    %dma_start3A_21 = tpu.memref_slice %arg5[%dma_start3A_14, %dma_start3A_20] : memref<128x200xi32, #tpu.memory_space<vmem>> -> memref<1x200xi32, #tpu.memory_space<vmem>>
    %dma_start3A_22 = tpu.memref_squeeze %dma_start3A_21 : memref<1x200xi32, #tpu.memory_space<vmem>> -> memref<200xi32, #tpu.memory_space<vmem>>
    %dma_start3A_23 = arith.constant 0 : i32
    %dma_start3A_24 = arith.constant 0 : i32
    %dma_start3A_25 = tpu.memref_slice %arg3[%dma_start3A_23, %dma_start3A_24] : memref<1000000x64xf32, #tpu.memory_space<hbm>> -> memref<1000000x64xf32, #tpu.memory_space<hbm>>
    tpu.enqueue_indirect_dma source(%dma_start3A_25 : memref<1000000x64xf32, #tpu.memory_space<hbm>>) target(%dma_start3A_19 : memref<200x64xf32, #tpu.memory_space<vmem>>) offsets(%dma_start3A_22 : memref<200xi32, #tpu.memory_space<vmem>>) semaphore(%arg9 : memref<!tpu.dma_semaphore, #tpu.memory_space<semaphore_mem>>)
    %dma_start3A_26 = arith.constant 2 : i32
    %dma_start3A_27 = arith.constant 2 : i32
    %dma_start3A_28 = arith.constant 0 : i32
    %dma_start3A_29 = arith.constant 0 : i32
    %dma_start3A_30 = tpu.memref_slice %arg6[%dma_start3A_27, %dma_start3A_28, %dma_start3A_29] : memref<4x200x64xf32, #tpu.memory_space<vmem>> -> memref<1x200x64xf32, #tpu.memory_space<vmem>>
    %dma_start3A_31 = tpu.memref_squeeze %dma_start3A_30 : memref<1x200x64xf32, #tpu.memory_space<vmem>> -> memref<200x64xf32, #tpu.memory_space<vmem>>
    %dma_start3A_32 = arith.constant 0 : i32
    %dma_start3A_33 = tpu.memref_slice %arg5[%dma_start3A_26, %dma_start3A_32] : memref<128x200xi32, #tpu.memory_space<vmem>> -> memref<1x200xi32, #tpu.memory_space<vmem>>
    %dma_start3A_34 = tpu.memref_squeeze %dma_start3A_33 : memref<1x200xi32, #tpu.memory_space<vmem>> -> memref<200xi32, #tpu.memory_space<vmem>>
    %dma_start3A_35 = arith.constant 0 : i32
    %dma_start3A_36 = arith.constant 0 : i32
    %dma_start3A_37 = tpu.memref_slice %arg3[%dma_start3A_35, %dma_start3A_36] : memref<1000000x64xf32, #tpu.memory_space<hbm>> -> memref<1000000x64xf32, #tpu.memory_space<hbm>>
    tpu.enqueue_indirect_dma source(%dma_start3A_37 : memref<1000000x64xf32, #tpu.memory_space<hbm>>) target(%dma_start3A_31 : memref<200x64xf32, #tpu.memory_space<vmem>>) offsets(%dma_start3A_34 : memref<200xi32, #tpu.memory_space<vmem>>) semaphore(%arg10 : memref<!tpu.dma_semaphore, #tpu.memory_space<semaphore_mem>>)
    %dma_start3A_38 = arith.constant 3 : i32
    %dma_start3A_39 = arith.constant 3 : i32
    %dma_start3A_40 = arith.constant 0 : i32
    %dma_start3A_41 = arith.constant 0 : i32
    %dma_start3A_42 = tpu.memref_slice %arg6[%dma_start3A_39, %dma_start3A_40, %dma_start3A_41] : memref<4x200x64xf32, #tpu.memory_space<vmem>> -> memref<1x200x64xf32, #tpu.memory_space<vmem>>
    %dma_start3A_43 = tpu.memref_squeeze %dma_start3A_42 : memref<1x200x64xf32, #tpu.memory_space<vmem>> -> memref<200x64xf32, #tpu.memory_space<vmem>>
    %dma_start3A_44 = arith.constant 0 : i32
    %dma_start3A_45 = tpu.memref_slice %arg5[%dma_start3A_38, %dma_start3A_44] : memref<128x200xi32, #tpu.memory_space<vmem>> -> memref<1x200xi32, #tpu.memory_space<vmem>>
    %dma_start3A_46 = tpu.memref_squeeze %dma_start3A_45 : memref<1x200xi32, #tpu.memory_space<vmem>> -> memref<200xi32, #tpu.memory_space<vmem>>
    %dma_start3A_47 = arith.constant 0 : i32
    %dma_start3A_48 = arith.constant 0 : i32
    %dma_start3A_49 = tpu.memref_slice %arg3[%dma_start3A_47, %dma_start3A_48] : memref<1000000x64xf32, #tpu.memory_space<hbm>> -> memref<1000000x64xf32, #tpu.memory_space<hbm>>
    tpu.enqueue_indirect_dma source(%dma_start3A_49 : memref<1000000x64xf32, #tpu.memory_space<hbm>>) target(%dma_start3A_43 : memref<200x64xf32, #tpu.memory_space<vmem>>) offsets(%dma_start3A_46 : memref<200xi32, #tpu.memory_space<vmem>>) semaphore(%arg11 : memref<!tpu.dma_semaphore, #tpu.memory_space<semaphore_mem>>)
    %scan3A = arith.constant 5.000000e-03 : f32
    %scan3A_50 = arith.constant 0 : i32
    %scan3A_51 = arith.constant 0 : i32
    %scan3A_52 = arith.constant 32 : i32
    %scan3A_53 = arith.addi %scan3A_51, %scan3A_52 : i32
    %scan3A_54 = arith.constant 1 : i32
    %scan3A_55 = scf.for %scan3A_59 = %scan3A_51 to %scan3A_53 step %scan3A_54 iter_args(%scan3A_60 = %scan3A_50) -> (i32)  : i32 {
      %mul3A_61 = arith.constant 4 : i32
      %mul3A_62 = arith.muli %scan3A_59, %mul3A_61 : i32
      %add3A_63 = arith.constant 0 : i32
      %add3A_64 = arith.addi %mul3A_62, %add3A_63 : i32
      %dma_wait3A = arith.constant 0 : i32
      %dma_wait3A_65 = arith.constant 0 : i32
      %dma_wait3A_66 = arith.constant 0 : i32
      %dma_wait3A_67 = arith.constant 0 : i32
      %dma_wait3A_68 = tpu.memref_slice %arg6[%dma_wait3A_65, %dma_wait3A_66, %dma_wait3A_67] : memref<4x200x64xf32, #tpu.memory_space<vmem>> -> memref<1x200x64xf32, #tpu.memory_space<vmem>>
      %dma_wait3A_69 = tpu.memref_squeeze %dma_wait3A_68 : memref<1x200x64xf32, #tpu.memory_space<vmem>> -> memref<200x64xf32, #tpu.memory_space<vmem>>
      %dma_wait3A_70 = arith.constant 0 : i32
      %dma_wait3A_71 = tpu.memref_slice %arg5[%dma_wait3A, %dma_wait3A_70] : memref<128x200xi32, #tpu.memory_space<vmem>> -> memref<1x200xi32, #tpu.memory_space<vmem>>
      %dma_wait3A_72 = tpu.memref_squeeze %dma_wait3A_71 : memref<1x200xi32, #tpu.memory_space<vmem>> -> memref<200xi32, #tpu.memory_space<vmem>>
      %dma_wait3A_73 = arith.constant 0 : i32
      %dma_wait3A_74 = arith.constant 0 : i32
      %dma_wait3A_75 = tpu.memref_slice %arg3[%dma_wait3A_73, %dma_wait3A_74] : memref<1000000x64xf32, #tpu.memory_space<hbm>> -> memref<1000000x64xf32, #tpu.memory_space<hbm>>
      tpu.wait_indirect_dma semaphore(%arg8 : memref<!tpu.dma_semaphore, #tpu.memory_space<semaphore_mem>>) src(%dma_wait3A_75 : memref<1000000x64xf32, #tpu.memory_space<hbm>>) dst(%dma_wait3A_69 : memref<200x64xf32, #tpu.memory_space<vmem>>)
      %broadcast_in_dim3A = arith.constant 0.000000e+00 : f32
      %broadcast_in_dim3A_76 = vector.broadcast %broadcast_in_dim3A : f32 to vector<16xf32>
      %broadcast_in_dim3A_77 = arith.constant 0.000000e+00 : f32
      %broadcast_in_dim3A_78 = vector.broadcast %broadcast_in_dim3A_77 : f32 to vector<16xf32>
      %broadcast_in_dim3A_79 = arith.constant 0.000000e+00 : f32
      %broadcast_in_dim3A_80 = vector.broadcast %broadcast_in_dim3A_79 : f32 to vector<16xf32>
      %broadcast_in_dim3A_81 = arith.constant 0.000000e+00 : f32
      %broadcast_in_dim3A_82 = vector.broadcast %broadcast_in_dim3A_81 : f32 to vector<16xf32>
      %broadcast_in_dim3A_83 = arith.constant 0.000000e+00 : f32
      %broadcast_in_dim3A_84 = vector.broadcast %broadcast_in_dim3A_83 : f32 to vector<16xf32>
      %broadcast_in_dim3A_85 = arith.constant 0.000000e+00 : f32
      %broadcast_in_dim3A_86 = vector.broadcast %broadcast_in_dim3A_85 : f32 to vector<16xf32>
      %broadcast_in_dim3A_87 = arith.constant 0.000000e+00 : f32
      %broadcast_in_dim3A_88 = vector.broadcast %broadcast_in_dim3A_87 : f32 to vector<16xf32>
      %broadcast_in_dim3A_89 = arith.constant 0.000000e+00 : f32
      %broadcast_in_dim3A_90 = vector.broadcast %broadcast_in_dim3A_89 : f32 to vector<16xf32>
      %scan3A_91 = arith.constant 0 : i32
      %scan3A_92 = arith.constant 100 : i32
      %scan3A_93 = arith.addi %scan3A_91, %scan3A_92 : i32
      %scan3A_94 = arith.constant 2 : i32
      %scan3A_95:8 = scf.for %scan3A_356 = %scan3A_91 to %scan3A_93 step %scan3A_94 iter_args(%scan3A_357 = %broadcast_in_dim3A_76, %scan3A_358 = %broadcast_in_dim3A_78, %scan3A_359 = %broadcast_in_dim3A_80, %scan3A_360 = %broadcast_in_dim3A_82, %scan3A_361 = %broadcast_in_dim3A_84, %scan3A_362 = %broadcast_in_dim3A_86, %scan3A_363 = %broadcast_in_dim3A_88, %scan3A_364 = %broadcast_in_dim3A_90) -> (vector<16xf32>, vector<16xf32>, vector<16xf32>, vector<16xf32>, vector<16xf32>, vector<16xf32>, vector<16xf32>, vector<16xf32>)  : i32 {
        %mul3A_365 = arith.constant 2 : i32
        %mul3A_366 = arith.muli %mul3A_365, %scan3A_356 : i32
        %get3A = arith.constant 0 : i32
        %get3A_367 = arith.index_cast %get3A : i32 to index
        %get3A_368 = arith.index_cast %mul3A_366 : i32 to index
        %get3A_369 = arith.constant 0 : index
        %get3A_370 = tpu.vector_load %arg6[%get3A_367, %get3A_368, %get3A_369] {strides = array<i32>} : memref<4x200x64xf32, #tpu.memory_space<vmem>>, vector<1x1x16xf32>,
        %get3A_371 = vector.shape_cast %get3A_370 : vector<1x1x16xf32> to vector<16xf32>
        %add3A_372 = arith.addf %scan3A_357, %get3A_371 : vector<16xf32>
        %mul3A_373 = arith.constant 2 : i32
        %mul3A_374 = arith.muli %mul3A_373, %scan3A_356 : i32
        %get3A_375 = arith.constant 0 : i32
        %get3A_376 = arith.index_cast %get3A_375 : i32 to index
        %get3A_377 = arith.index_cast %mul3A_374 : i32 to index
        %get3A_378 = arith.constant 16 : index
        %get3A_379 = tpu.vector_load %arg6[%get3A_376, %get3A_377, %get3A_378] {strides = array<i32>} : memref<4x200x64xf32, #tpu.memory_space<vmem>>, vector<1x1x16xf32>,
        %get3A_380 = vector.shape_cast %get3A_379 : vector<1x1x16xf32> to vector<16xf32>
        %add3A_381 = arith.addf %scan3A_358, %get3A_380 : vector<16xf32>
        %mul3A_382 = arith.constant 2 : i32
        %mul3A_383 = arith.muli %mul3A_382, %scan3A_356 : i32
        %get3A_384 = arith.constant 0 : i32
        %get3A_385 = arith.index_cast %get3A_384 : i32 to index
        %get3A_386 = arith.index_cast %mul3A_383 : i32 to index
        %get3A_387 = arith.constant 32 : index
        %get3A_388 = tpu.vector_load %arg6[%get3A_385, %get3A_386, %get3A_387] {strides = array<i32>} : memref<4x200x64xf32, #tpu.memory_space<vmem>>, vector<1x1x16xf32>,
        %get3A_389 = vector.shape_cast %get3A_388 : vector<1x1x16xf32> to vector<16xf32>
        %add3A_390 = arith.addf %scan3A_359, %get3A_389 : vector<16xf32>
        %mul3A_391 = arith.constant 2 : i32
        %mul3A_392 = arith.muli %mul3A_391, %scan3A_356 : i32
        %get3A_393 = arith.constant 0 : i32
        %get3A_394 = arith.index_cast %get3A_393 : i32 to index
        %get3A_395 = arith.index_cast %mul3A_392 : i32 to index
        %get3A_396 = arith.constant 48 : index
        %get3A_397 = tpu.vector_load %arg6[%get3A_394, %get3A_395, %get3A_396] {strides = array<i32>} : memref<4x200x64xf32, #tpu.memory_space<vmem>>, vector<1x1x16xf32>,
        %get3A_398 = vector.shape_cast %get3A_397 : vector<1x1x16xf32> to vector<16xf32>
        %add3A_399 = arith.addf %scan3A_360, %get3A_398 : vector<16xf32>
        %mul3A_400 = arith.constant 2 : i32
        %mul3A_401 = arith.muli %mul3A_400, %scan3A_356 : i32
        %add3A_402 = arith.constant 1 : i32
        %add3A_403 = arith.addi %mul3A_401, %add3A_402 : i32
        %get3A_404 = arith.constant 0 : i32
        %get3A_405 = arith.index_cast %get3A_404 : i32 to index
        %get3A_406 = arith.index_cast %add3A_403 : i32 to index
        %get3A_407 = arith.constant 0 : index
        %get3A_408 = tpu.vector_load %arg6[%get3A_405, %get3A_406, %get3A_407] {strides = array<i32>} : memref<4x200x64xf32, #tpu.memory_space<vmem>>, vector<1x1x16xf32>,
        %get3A_409 = vector.shape_cast %get3A_408 : vector<1x1x16xf32> to vector<16xf32>
        %add3A_410 = arith.addf %scan3A_361, %get3A_409 : vector<16xf32>
        %mul3A_411 = arith.constant 2 : i32
        %mul3A_412 = arith.muli %mul3A_411, %scan3A_356 : i32
        %add3A_413 = arith.constant 1 : i32
        %add3A_414 = arith.addi %mul3A_412, %add3A_413 : i32
        %get3A_415 = arith.constant 0 : i32
        %get3A_416 = arith.index_cast %get3A_415 : i32 to index
        %get3A_417 = arith.index_cast %add3A_414 : i32 to index
        %get3A_418 = arith.constant 16 : index
        %get3A_419 = tpu.vector_load %arg6[%get3A_416, %get3A_417, %get3A_418] {strides = array<i32>} : memref<4x200x64xf32, #tpu.memory_space<vmem>>, vector<1x1x16xf32>,
        %get3A_420 = vector.shape_cast %get3A_419 : vector<1x1x16xf32> to vector<16xf32>
        %add3A_421 = arith.addf %scan3A_362, %get3A_420 : vector<16xf32>
        %mul3A_422 = arith.constant 2 : i32
        %mul3A_423 = arith.muli %mul3A_422, %scan3A_356 : i32
        %add3A_424 = arith.constant 1 : i32
        %add3A_425 = arith.addi %mul3A_423, %add3A_424 : i32
        %get3A_426 = arith.constant 0 : i32
        %get3A_427 = arith.index_cast %get3A_426 : i32 to index
        %get3A_428 = arith.index_cast %add3A_425 : i32 to index
        %get3A_429 = arith.constant 32 : index
        %get3A_430 = tpu.vector_load %arg6[%get3A_427, %get3A_428, %get3A_429] {strides = array<i32>} : memref<4x200x64xf32, #tpu.memory_space<vmem>>, vector<1x1x16xf32>,
        %get3A_431 = vector.shape_cast %get3A_430 : vector<1x1x16xf32> to vector<16xf32>
        %add3A_432 = arith.addf %scan3A_363, %get3A_431 : vector<16xf32>
        %mul3A_433 = arith.constant 2 : i32
        %mul3A_434 = arith.muli %mul3A_433, %scan3A_356 : i32
        %add3A_435 = arith.constant 1 : i32
        %add3A_436 = arith.addi %mul3A_434, %add3A_435 : i32
        %get3A_437 = arith.constant 0 : i32
        %get3A_438 = arith.index_cast %get3A_437 : i32 to index
        %get3A_439 = arith.index_cast %add3A_436 : i32 to index
        %get3A_440 = arith.constant 48 : index
        %get3A_441 = tpu.vector_load %arg6[%get3A_438, %get3A_439, %get3A_440] {strides = array<i32>} : memref<4x200x64xf32, #tpu.memory_space<vmem>>, vector<1x1x16xf32>,
        %get3A_442 = vector.shape_cast %get3A_441 : vector<1x1x16xf32> to vector<16xf32>
        %add3A_443 = arith.addf %scan3A_364, %get3A_442 : vector<16xf32>
        %scan3A_444 = arith.constant 1 : i32
        %scan3A_445 = arith.addi %scan3A_356, %scan3A_444 : i32
        %mul3A_446 = arith.constant 2 : i32
        %mul3A_447 = arith.muli %mul3A_446, %scan3A_445 : i32
        %get3A_448 = arith.constant 0 : i32
        %get3A_449 = arith.index_cast %get3A_448 : i32 to index
        %get3A_450 = arith.index_cast %mul3A_447 : i32 to index
        %get3A_451 = arith.constant 0 : index
        %get3A_452 = tpu.vector_load %arg6[%get3A_449, %get3A_450, %get3A_451] {strides = array<i32>} : memref<4x200x64xf32, #tpu.memory_space<vmem>>, vector<1x1x16xf32>,
        %get3A_453 = vector.shape_cast %get3A_452 : vector<1x1x16xf32> to vector<16xf32>
        %add3A_454 = arith.addf %add3A_372, %get3A_453 : vector<16xf32>
        %mul3A_455 = arith.constant 2 : i32
        %mul3A_456 = arith.muli %mul3A_455, %scan3A_445 : i32
        %get3A_457 = arith.constant 0 : i32
        %get3A_458 = arith.index_cast %get3A_457 : i32 to index
        %get3A_459 = arith.index_cast %mul3A_456 : i32 to index
        %get3A_460 = arith.constant 16 : index
        %get3A_461 = tpu.vector_load %arg6[%get3A_458, %get3A_459, %get3A_460] {strides = array<i32>} : memref<4x200x64xf32, #tpu.memory_space<vmem>>, vector<1x1x16xf32>,
        %get3A_462 = vector.shape_cast %get3A_461 : vector<1x1x16xf32> to vector<16xf32>
        %add3A_463 = arith.addf %add3A_381, %get3A_462 : vector<16xf32>
        %mul3A_464 = arith.constant 2 : i32
        %mul3A_465 = arith.muli %mul3A_464, %scan3A_445 : i32
        %get3A_466 = arith.constant 0 : i32
        %get3A_467 = arith.index_cast %get3A_466 : i32 to index
        %get3A_468 = arith.index_cast %mul3A_465 : i32 to index
        %get3A_469 = arith.constant 32 : index
        %get3A_470 = tpu.vector_load %arg6[%get3A_467, %get3A_468, %get3A_469] {strides = array<i32>} : memref<4x200x64xf32, #tpu.memory_space<vmem>>, vector<1x1x16xf32>,
        %get3A_471 = vector.shape_cast %get3A_470 : vector<1x1x16xf32> to vector<16xf32>
        %add3A_472 = arith.addf %add3A_390, %get3A_471 : vector<16xf32>
        %mul3A_473 = arith.constant 2 : i32
        %mul3A_474 = arith.muli %mul3A_473, %scan3A_445 : i32
        %get3A_475 = arith.constant 0 : i32
        %get3A_476 = arith.index_cast %get3A_475 : i32 to index
        %get3A_477 = arith.index_cast %mul3A_474 : i32 to index
        %get3A_478 = arith.constant 48 : index
        %get3A_479 = tpu.vector_load %arg6[%get3A_476, %get3A_477, %get3A_478] {strides = array<i32>} : memref<4x200x64xf32, #tpu.memory_space<vmem>>, vector<1x1x16xf32>,
        %get3A_480 = vector.shape_cast %get3A_479 : vector<1x1x16xf32> to vector<16xf32>
        %add3A_481 = arith.addf %add3A_399, %get3A_480 : vector<16xf32>
        %mul3A_482 = arith.constant 2 : i32
        %mul3A_483 = arith.muli %mul3A_482, %scan3A_445 : i32
        %add3A_484 = arith.constant 1 : i32
        %add3A_485 = arith.addi %mul3A_483, %add3A_484 : i32
        %get3A_486 = arith.constant 0 : i32
        %get3A_487 = arith.index_cast %get3A_486 : i32 to index
        %get3A_488 = arith.index_cast %add3A_485 : i32 to index
        %get3A_489 = arith.constant 0 : index
        %get3A_490 = tpu.vector_load %arg6[%get3A_487, %get3A_488, %get3A_489] {strides = array<i32>} : memref<4x200x64xf32, #tpu.memory_space<vmem>>, vector<1x1x16xf32>,
        %get3A_491 = vector.shape_cast %get3A_490 : vector<1x1x16xf32> to vector<16xf32>
        %add3A_492 = arith.addf %add3A_410, %get3A_491 : vector<16xf32>
        %mul3A_493 = arith.constant 2 : i32
        %mul3A_494 = arith.muli %mul3A_493, %scan3A_445 : i32
        %add3A_495 = arith.constant 1 : i32
        %add3A_496 = arith.addi %mul3A_494, %add3A_495 : i32
        %get3A_497 = arith.constant 0 : i32
        %get3A_498 = arith.index_cast %get3A_497 : i32 to index
        %get3A_499 = arith.index_cast %add3A_496 : i32 to index
        %get3A_500 = arith.constant 16 : index
        %get3A_501 = tpu.vector_load %arg6[%get3A_498, %get3A_499, %get3A_500] {strides = array<i32>} : memref<4x200x64xf32, #tpu.memory_space<vmem>>, vector<1x1x16xf32>,
        %get3A_502 = vector.shape_cast %get3A_501 : vector<1x1x16xf32> to vector<16xf32>
        %add3A_503 = arith.addf %add3A_421, %get3A_502 : vector<16xf32>
        %mul3A_504 = arith.constant 2 : i32
        %mul3A_505 = arith.muli %mul3A_504, %scan3A_445 : i32
        %add3A_506 = arith.constant 1 : i32
        %add3A_507 = arith.addi %mul3A_505, %add3A_506 : i32
        %get3A_508 = arith.constant 0 : i32
        %get3A_509 = arith.index_cast %get3A_508 : i32 to index
        %get3A_510 = arith.index_cast %add3A_507 : i32 to index
        %get3A_511 = arith.constant 32 : index
        %get3A_512 = tpu.vector_load %arg6[%get3A_509, %get3A_510, %get3A_511] {strides = array<i32>} : memref<4x200x64xf32, #tpu.memory_space<vmem>>, vector<1x1x16xf32>,
        %get3A_513 = vector.shape_cast %get3A_512 : vector<1x1x16xf32> to vector<16xf32>
        %add3A_514 = arith.addf %add3A_432, %get3A_513 : vector<16xf32>
        %mul3A_515 = arith.constant 2 : i32
        %mul3A_516 = arith.muli %mul3A_515, %scan3A_445 : i32
        %add3A_517 = arith.constant 1 : i32
        %add3A_518 = arith.addi %mul3A_516, %add3A_517 : i32
        %get3A_519 = arith.constant 0 : i32
        %get3A_520 = arith.index_cast %get3A_519 : i32 to index
        %get3A_521 = arith.index_cast %add3A_518 : i32 to index
        %get3A_522 = arith.constant 48 : index
        %get3A_523 = tpu.vector_load %arg6[%get3A_520, %get3A_521, %get3A_522] {strides = array<i32>} : memref<4x200x64xf32, #tpu.memory_space<vmem>>, vector<1x1x16xf32>,
        %get3A_524 = vector.shape_cast %get3A_523 : vector<1x1x16xf32> to vector<16xf32>
        %add3A_525 = arith.addf %add3A_443, %get3A_524 : vector<16xf32>
        scf.yield %add3A_454, %add3A_463, %add3A_472, %add3A_481, %add3A_492, %add3A_503, %add3A_514, %add3A_525 : vector<16xf32>, vector<16xf32>, vector<16xf32>, vector<16xf32>, vector<16xf32>, vector<16xf32>, vector<16xf32>, vector<16xf32>
      }
      %scan3A_96 = arith.constant 100 : i32
      %add3A_97 = arith.addf %scan3A_95#0, %scan3A_95#4 : vector<16xf32>
      %mul3A_98 = vector.broadcast %scan3A : f32 to vector<16xf32>
      %mul3A_99 = arith.mulf %add3A_97, %mul3A_98 : vector<16xf32>
      %swap3A = arith.index_cast %add3A_64 : i32 to index
      %swap3A_100 = arith.constant 0 : index
      %swap3A_101 = tpu.vector_load %arg7[%swap3A, %swap3A_100] {strides = array<i32>} : memref<128x64xf32, #tpu.memory_space<vmem>>, vector<1x16xf32>,
      %swap3A_102 = vector.shape_cast %swap3A_101 : vector<1x16xf32> to vector<16xf32>
      %swap3A_103 = vector.shape_cast %mul3A_99 : vector<16xf32> to vector<1x16xf32>
      tpu.vector_store %arg7[%swap3A, %swap3A_100], %swap3A_103 {strides = array<i32>} : memref<128x64xf32, #tpu.memory_space<vmem>>, vector<1x16xf32>,
      %add3A_104 = arith.addf %scan3A_95#1, %scan3A_95#5 : vector<16xf32>
      %mul3A_105 = vector.broadcast %scan3A : f32 to vector<16xf32>
      %mul3A_106 = arith.mulf %add3A_104, %mul3A_105 : vector<16xf32>
      %swap3A_107 = arith.index_cast %add3A_64 : i32 to index
      %swap3A_108 = arith.constant 16 : index
      %swap3A_109 = tpu.vector_load %arg7[%swap3A_107, %swap3A_108] {strides = array<i32>} : memref<128x64xf32, #tpu.memory_space<vmem>>, vector<1x16xf32>,
      %swap3A_110 = vector.shape_cast %swap3A_109 : vector<1x16xf32> to vector<16xf32>
      %swap3A_111 = vector.shape_cast %mul3A_106 : vector<16xf32> to vector<1x16xf32>
      tpu.vector_store %arg7[%swap3A_107, %swap3A_108], %swap3A_111 {strides = array<i32>} : memref<128x64xf32, #tpu.memory_space<vmem>>, vector<1x16xf32>,
      %add3A_112 = arith.addf %scan3A_95#2, %scan3A_95#6 : vector<16xf32>
      %mul3A_113 = vector.broadcast %scan3A : f32 to vector<16xf32>
      %mul3A_114 = arith.mulf %add3A_112, %mul3A_113 : vector<16xf32>
      %swap3A_115 = arith.index_cast %add3A_64 : i32 to index
      %swap3A_116 = arith.constant 32 : index
      %swap3A_117 = tpu.vector_load %arg7[%swap3A_115, %swap3A_116] {strides = array<i32>} : memref<128x64xf32, #tpu.memory_space<vmem>>, vector<1x16xf32>,
      %swap3A_118 = vector.shape_cast %swap3A_117 : vector<1x16xf32> to vector<16xf32>
      %swap3A_119 = vector.shape_cast %mul3A_114 : vector<16xf32> to vector<1x16xf32>
      tpu.vector_store %arg7[%swap3A_115, %swap3A_116], %swap3A_119 {strides = array<i32>} : memref<128x64xf32, #tpu.memory_space<vmem>>, vector<1x16xf32>,
      %add3A_120 = arith.addf %scan3A_95#3, %scan3A_95#7 : vector<16xf32>
      %mul3A_121 = vector.broadcast %scan3A : f32 to vector<16xf32>
      %mul3A_122 = arith.mulf %add3A_120, %mul3A_121 : vector<16xf32>
      %swap3A_123 = arith.index_cast %add3A_64 : i32 to index
      %swap3A_124 = arith.constant 48 : index
      %swap3A_125 = tpu.vector_load %arg7[%swap3A_123, %swap3A_124] {strides = array<i32>} : memref<128x64xf32, #tpu.memory_space<vmem>>, vector<1x16xf32>,
      %swap3A_126 = vector.shape_cast %swap3A_125 : vector<1x16xf32> to vector<16xf32>
      %swap3A_127 = vector.shape_cast %mul3A_122 : vector<16xf32> to vector<1x16xf32>
      tpu.vector_store %arg7[%swap3A_123, %swap3A_124], %swap3A_127 {strides = array<i32>} : memref<128x64xf32, #tpu.memory_space<vmem>>, vector<1x16xf32>,
      %lt3A = arith.constant 124 : i32
      %lt3A_128 = arith.cmpi slt, %add3A_64, %lt3A : i32
      %convert_element_type3A = arith.extui %lt3A_128 : i1 to i32
      %cond3A = arith.constant 0 : i32
      %cond3A_129 = arith.cmpi ne, %convert_element_type3A, %cond3A : i32
      scf.if %cond3A_129 {
        %add3A_356 = arith.constant 4 : i32
        %add3A_357 = arith.addi %add3A_64, %add3A_356 : i32
        %dma_start3A_358 = arith.constant 0 : i32
        %dma_start3A_359 = arith.constant 0 : i32
        %dma_start3A_360 = arith.constant 0 : i32
        %dma_start3A_361 = tpu.memref_slice %arg6[%dma_start3A_358, %dma_start3A_359, %dma_start3A_360] : memref<4x200x64xf32, #tpu.memory_space<vmem>> -> memref<1x200x64xf32, #tpu.memory_space<vmem>>
        %dma_start3A_362 = tpu.memref_squeeze %dma_start3A_361 : memref<1x200x64xf32, #tpu.memory_space<vmem>> -> memref<200x64xf32, #tpu.memory_space<vmem>>
        %dma_start3A_363 = arith.constant 0 : i32
        %dma_start3A_364 = tpu.memref_slice %arg5[%add3A_357, %dma_start3A_363] : memref<128x200xi32, #tpu.memory_space<vmem>> -> memref<1x200xi32, #tpu.memory_space<vmem>>
        %dma_start3A_365 = tpu.memref_squeeze %dma_start3A_364 : memref<1x200xi32, #tpu.memory_space<vmem>> -> memref<200xi32, #tpu.memory_space<vmem>>
        %dma_start3A_366 = arith.constant 0 : i32
        %dma_start3A_367 = arith.constant 0 : i32
        %dma_start3A_368 = tpu.memref_slice %arg3[%dma_start3A_366, %dma_start3A_367] : memref<1000000x64xf32, #tpu.memory_space<hbm>> -> memref<1000000x64xf32, #tpu.memory_space<hbm>>
        tpu.enqueue_indirect_dma source(%dma_start3A_368 : memref<1000000x64xf32, #tpu.memory_space<hbm>>) target(%dma_start3A_362 : memref<200x64xf32, #tpu.memory_space<vmem>>) offsets(%dma_start3A_365 : memref<200xi32, #tpu.memory_space<vmem>>) semaphore(%arg8 : memref<!tpu.dma_semaphore, #tpu.memory_space<semaphore_mem>>)
      } else {
      }
      %mul3A_130 = arith.constant 4 : i32
      %mul3A_131 = arith.muli %scan3A_59, %mul3A_130 : i32
      %add3A_132 = arith.constant 1 : i32
      %add3A_133 = arith.addi %mul3A_131, %add3A_132 : i32
      %dma_wait3A_134 = arith.constant 0 : i32
      %dma_wait3A_135 = arith.constant 1 : i32
      %dma_wait3A_136 = arith.constant 0 : i32
      %dma_wait3A_137 = arith.constant 0 : i32
      %dma_wait3A_138 = tpu.memref_slice %arg6[%dma_wait3A_135, %dma_wait3A_136, %dma_wait3A_137] : memref<4x200x64xf32, #tpu.memory_space<vmem>> -> memref<1x200x64xf32, #tpu.memory_space<vmem>>
      %dma_wait3A_139 = tpu.memref_squeeze %dma_wait3A_138 : memref<1x200x64xf32, #tpu.memory_space<vmem>> -> memref<200x64xf32, #tpu.memory_space<vmem>>
      %dma_wait3A_140 = arith.constant 0 : i32
      %dma_wait3A_141 = tpu.memref_slice %arg5[%dma_wait3A_134, %dma_wait3A_140] : memref<128x200xi32, #tpu.memory_space<vmem>> -> memref<1x200xi32, #tpu.memory_space<vmem>>
      %dma_wait3A_142 = tpu.memref_squeeze %dma_wait3A_141 : memref<1x200xi32, #tpu.memory_space<vmem>> -> memref<200xi32, #tpu.memory_space<vmem>>
      %dma_wait3A_143 = arith.constant 0 : i32
      %dma_wait3A_144 = arith.constant 0 : i32
      %dma_wait3A_145 = tpu.memref_slice %arg3[%dma_wait3A_143, %dma_wait3A_144] : memref<1000000x64xf32, #tpu.memory_space<hbm>> -> memref<1000000x64xf32, #tpu.memory_space<hbm>>
      tpu.wait_indirect_dma semaphore(%arg9 : memref<!tpu.dma_semaphore, #tpu.memory_space<semaphore_mem>>) src(%dma_wait3A_145 : memref<1000000x64xf32, #tpu.memory_space<hbm>>) dst(%dma_wait3A_139 : memref<200x64xf32, #tpu.memory_space<vmem>>)
      %broadcast_in_dim3A_146 = arith.constant 0.000000e+00 : f32
      %broadcast_in_dim3A_147 = vector.broadcast %broadcast_in_dim3A_146 : f32 to vector<16xf32>
      %broadcast_in_dim3A_148 = arith.constant 0.000000e+00 : f32
      %broadcast_in_dim3A_149 = vector.broadcast %broadcast_in_dim3A_148 : f32 to vector<16xf32>
      %broadcast_in_dim3A_150 = arith.constant 0.000000e+00 : f32
      %broadcast_in_dim3A_151 = vector.broadcast %broadcast_in_dim3A_150 : f32 to vector<16xf32>
      %broadcast_in_dim3A_152 = arith.constant 0.000000e+00 : f32
      %broadcast_in_dim3A_153 = vector.broadcast %broadcast_in_dim3A_152 : f32 to vector<16xf32>
      %broadcast_in_dim3A_154 = arith.constant 0.000000e+00 : f32
      %broadcast_in_dim3A_155 = vector.broadcast %broadcast_in_dim3A_154 : f32 to vector<16xf32>
      %broadcast_in_dim3A_156 = arith.constant 0.000000e+00 : f32
      %broadcast_in_dim3A_157 = vector.broadcast %broadcast_in_dim3A_156 : f32 to vector<16xf32>
      %broadcast_in_dim3A_158 = arith.constant 0.000000e+00 : f32
      %broadcast_in_dim3A_159 = vector.broadcast %broadcast_in_dim3A_158 : f32 to vector<16xf32>
      %broadcast_in_dim3A_160 = arith.constant 0.000000e+00 : f32
      %broadcast_in_dim3A_161 = vector.broadcast %broadcast_in_dim3A_160 : f32 to vector<16xf32>
      %scan3A_162 = arith.constant 0 : i32
      %scan3A_163 = arith.constant 100 : i32
      %scan3A_164 = arith.addi %scan3A_162, %scan3A_163 : i32
      %scan3A_165 = arith.constant 2 : i32
      %scan3A_166:8 = scf.for %scan3A_356 = %scan3A_162 to %scan3A_164 step %scan3A_165 iter_args(%scan3A_357 = %broadcast_in_dim3A_147, %scan3A_358 = %broadcast_in_dim3A_149, %scan3A_359 = %broadcast_in_dim3A_151, %scan3A_360 = %broadcast_in_dim3A_153, %scan3A_361 = %broadcast_in_dim3A_155, %scan3A_362 = %broadcast_in_dim3A_157, %scan3A_363 = %broadcast_in_dim3A_159, %scan3A_364 = %broadcast_in_dim3A_161) -> (vector<16xf32>, vector<16xf32>, vector<16xf32>, vector<16xf32>, vector<16xf32>, vector<16xf32>, vector<16xf32>, vector<16xf32>)  : i32 {
        %mul3A_365 = arith.constant 2 : i32
        %mul3A_366 = arith.muli %mul3A_365, %scan3A_356 : i32
        %get3A = arith.constant 1 : i32
        %get3A_367 = arith.index_cast %get3A : i32 to index
        %get3A_368 = arith.index_cast %mul3A_366 : i32 to index
        %get3A_369 = arith.constant 0 : index
        %get3A_370 = tpu.vector_load %arg6[%get3A_367, %get3A_368, %get3A_369] {strides = array<i32>} : memref<4x200x64xf32, #tpu.memory_space<vmem>>, vector<1x1x16xf32>,
        %get3A_371 = vector.shape_cast %get3A_370 : vector<1x1x16xf32> to vector<16xf32>
        %add3A_372 = arith.addf %scan3A_357, %get3A_371 : vector<16xf32>
        %mul3A_373 = arith.constant 2 : i32
        %mul3A_374 = arith.muli %mul3A_373, %scan3A_356 : i32
        %get3A_375 = arith.constant 1 : i32
        %get3A_376 = arith.index_cast %get3A_375 : i32 to index
        %get3A_377 = arith.index_cast %mul3A_374 : i32 to index
        %get3A_378 = arith.constant 16 : index
        %get3A_379 = tpu.vector_load %arg6[%get3A_376, %get3A_377, %get3A_378] {strides = array<i32>} : memref<4x200x64xf32, #tpu.memory_space<vmem>>, vector<1x1x16xf32>,
        %get3A_380 = vector.shape_cast %get3A_379 : vector<1x1x16xf32> to vector<16xf32>
        %add3A_381 = arith.addf %scan3A_358, %get3A_380 : vector<16xf32>
        %mul3A_382 = arith.constant 2 : i32
        %mul3A_383 = arith.muli %mul3A_382, %scan3A_356 : i32
        %get3A_384 = arith.constant 1 : i32
        %get3A_385 = arith.index_cast %get3A_384 : i32 to index
        %get3A_386 = arith.index_cast %mul3A_383 : i32 to index
        %get3A_387 = arith.constant 32 : index
        %get3A_388 = tpu.vector_load %arg6[%get3A_385, %get3A_386, %get3A_387] {strides = array<i32>} : memref<4x200x64xf32, #tpu.memory_space<vmem>>, vector<1x1x16xf32>,
        %get3A_389 = vector.shape_cast %get3A_388 : vector<1x1x16xf32> to vector<16xf32>
        %add3A_390 = arith.addf %scan3A_359, %get3A_389 : vector<16xf32>
        %mul3A_391 = arith.constant 2 : i32
        %mul3A_392 = arith.muli %mul3A_391, %scan3A_356 : i32
        %get3A_393 = arith.constant 1 : i32
        %get3A_394 = arith.index_cast %get3A_393 : i32 to index
        %get3A_395 = arith.index_cast %mul3A_392 : i32 to index
        %get3A_396 = arith.constant 48 : index
        %get3A_397 = tpu.vector_load %arg6[%get3A_394, %get3A_395, %get3A_396] {strides = array<i32>} : memref<4x200x64xf32, #tpu.memory_space<vmem>>, vector<1x1x16xf32>,
        %get3A_398 = vector.shape_cast %get3A_397 : vector<1x1x16xf32> to vector<16xf32>
        %add3A_399 = arith.addf %scan3A_360, %get3A_398 : vector<16xf32>
        %mul3A_400 = arith.constant 2 : i32
        %mul3A_401 = arith.muli %mul3A_400, %scan3A_356 : i32
        %add3A_402 = arith.constant 1 : i32
        %add3A_403 = arith.addi %mul3A_401, %add3A_402 : i32
        %get3A_404 = arith.constant 1 : i32
        %get3A_405 = arith.index_cast %get3A_404 : i32 to index
        %get3A_406 = arith.index_cast %add3A_403 : i32 to index
        %get3A_407 = arith.constant 0 : index
        %get3A_408 = tpu.vector_load %arg6[%get3A_405, %get3A_406, %get3A_407] {strides = array<i32>} : memref<4x200x64xf32, #tpu.memory_space<vmem>>, vector<1x1x16xf32>,
        %get3A_409 = vector.shape_cast %get3A_408 : vector<1x1x16xf32> to vector<16xf32>
        %add3A_410 = arith.addf %scan3A_361, %get3A_409 : vector<16xf32>
        %mul3A_411 = arith.constant 2 : i32
        %mul3A_412 = arith.muli %mul3A_411, %scan3A_356 : i32
        %add3A_413 = arith.constant 1 : i32
        %add3A_414 = arith.addi %mul3A_412, %add3A_413 : i32
        %get3A_415 = arith.constant 1 : i32
        %get3A_416 = arith.index_cast %get3A_415 : i32 to index
        %get3A_417 = arith.index_cast %add3A_414 : i32 to index
        %get3A_418 = arith.constant 16 : index
        %get3A_419 = tpu.vector_load %arg6[%get3A_416, %get3A_417, %get3A_418] {strides = array<i32>} : memref<4x200x64xf32, #tpu.memory_space<vmem>>, vector<1x1x16xf32>,
        %get3A_420 = vector.shape_cast %get3A_419 : vector<1x1x16xf32> to vector<16xf32>
        %add3A_421 = arith.addf %scan3A_362, %get3A_420 : vector<16xf32>
        %mul3A_422 = arith.constant 2 : i32
        %mul3A_423 = arith.muli %mul3A_422, %scan3A_356 : i32
        %add3A_424 = arith.constant 1 : i32
        %add3A_425 = arith.addi %mul3A_423, %add3A_424 : i32
        %get3A_426 = arith.constant 1 : i32
        %get3A_427 = arith.index_cast %get3A_426 : i32 to index
        %get3A_428 = arith.index_cast %add3A_425 : i32 to index
        %get3A_429 = arith.constant 32 : index
        %get3A_430 = tpu.vector_load %arg6[%get3A_427, %get3A_428, %get3A_429] {strides = array<i32>} : memref<4x200x64xf32, #tpu.memory_space<vmem>>, vector<1x1x16xf32>,
        %get3A_431 = vector.shape_cast %get3A_430 : vector<1x1x16xf32> to vector<16xf32>
        %add3A_432 = arith.addf %scan3A_363, %get3A_431 : vector<16xf32>
        %mul3A_433 = arith.constant 2 : i32
        %mul3A_434 = arith.muli %mul3A_433, %scan3A_356 : i32
        %add3A_435 = arith.constant 1 : i32
        %add3A_436 = arith.addi %mul3A_434, %add3A_435 : i32
        %get3A_437 = arith.constant 1 : i32
        %get3A_438 = arith.index_cast %get3A_437 : i32 to index
        %get3A_439 = arith.index_cast %add3A_436 : i32 to index
        %get3A_440 = arith.constant 48 : index
        %get3A_441 = tpu.vector_load %arg6[%get3A_438, %get3A_439, %get3A_440] {strides = array<i32>} : memref<4x200x64xf32, #tpu.memory_space<vmem>>, vector<1x1x16xf32>,
        %get3A_442 = vector.shape_cast %get3A_441 : vector<1x1x16xf32> to vector<16xf32>
        %add3A_443 = arith.addf %scan3A_364, %get3A_442 : vector<16xf32>
        %scan3A_444 = arith.constant 1 : i32
        %scan3A_445 = arith.addi %scan3A_356, %scan3A_444 : i32
        %mul3A_446 = arith.constant 2 : i32
        %mul3A_447 = arith.muli %mul3A_446, %scan3A_445 : i32
        %get3A_448 = arith.constant 1 : i32
        %get3A_449 = arith.index_cast %get3A_448 : i32 to index
        %get3A_450 = arith.index_cast %mul3A_447 : i32 to index
        %get3A_451 = arith.constant 0 : index
        %get3A_452 = tpu.vector_load %arg6[%get3A_449, %get3A_450, %get3A_451] {strides = array<i32>} : memref<4x200x64xf32, #tpu.memory_space<vmem>>, vector<1x1x16xf32>,
        %get3A_453 = vector.shape_cast %get3A_452 : vector<1x1x16xf32> to vector<16xf32>
        %add3A_454 = arith.addf %add3A_372, %get3A_453 : vector<16xf32>
        %mul3A_455 = arith.constant 2 : i32
        %mul3A_456 = arith.muli %mul3A_455, %scan3A_445 : i32
        %get3A_457 = arith.constant 1 : i32
        %get3A_458 = arith.index_cast %get3A_457 : i32 to index
        %get3A_459 = arith.index_cast %mul3A_456 : i32 to index
        %get3A_460 = arith.constant 16 : index
        %get3A_461 = tpu.vector_load %arg6[%get3A_458, %get3A_459, %get3A_460] {strides = array<i32>} : memref<4x200x64xf32, #tpu.memory_space<vmem>>, vector<1x1x16xf32>,
        %get3A_462 = vector.shape_cast %get3A_461 : vector<1x1x16xf32> to vector<16xf32>
        %add3A_463 = arith.addf %add3A_381, %get3A_462 : vector<16xf32>
        %mul3A_464 = arith.constant 2 : i32
        %mul3A_465 = arith.muli %mul3A_464, %scan3A_445 : i32
        %get3A_466 = arith.constant 1 : i32
        %get3A_467 = arith.index_cast %get3A_466 : i32 to index
        %get3A_468 = arith.index_cast %mul3A_465 : i32 to index
        %get3A_469 = arith.constant 32 : index
        %get3A_470 = tpu.vector_load %arg6[%get3A_467, %get3A_468, %get3A_469] {strides = array<i32>} : memref<4x200x64xf32, #tpu.memory_space<vmem>>, vector<1x1x16xf32>,
        %get3A_471 = vector.shape_cast %get3A_470 : vector<1x1x16xf32> to vector<16xf32>
        %add3A_472 = arith.addf %add3A_390, %get3A_471 : vector<16xf32>
        %mul3A_473 = arith.constant 2 : i32
        %mul3A_474 = arith.muli %mul3A_473, %scan3A_445 : i32
        %get3A_475 = arith.constant 1 : i32
        %get3A_476 = arith.index_cast %get3A_475 : i32 to index
        %get3A_477 = arith.index_cast %mul3A_474 : i32 to index
        %get3A_478 = arith.constant 48 : index
        %get3A_479 = tpu.vector_load %arg6[%get3A_476, %get3A_477, %get3A_478] {strides = array<i32>} : memref<4x200x64xf32, #tpu.memory_space<vmem>>, vector<1x1x16xf32>,
        %get3A_480 = vector.shape_cast %get3A_479 : vector<1x1x16xf32> to vector<16xf32>
        %add3A_481 = arith.addf %add3A_399, %get3A_480 : vector<16xf32>
        %mul3A_482 = arith.constant 2 : i32
        %mul3A_483 = arith.muli %mul3A_482, %scan3A_445 : i32
        %add3A_484 = arith.constant 1 : i32
        %add3A_485 = arith.addi %mul3A_483, %add3A_484 : i32
        %get3A_486 = arith.constant 1 : i32
        %get3A_487 = arith.index_cast %get3A_486 : i32 to index
        %get3A_488 = arith.index_cast %add3A_485 : i32 to index
        %get3A_489 = arith.constant 0 : index
        %get3A_490 = tpu.vector_load %arg6[%get3A_487, %get3A_488, %get3A_489] {strides = array<i32>} : memref<4x200x64xf32, #tpu.memory_space<vmem>>, vector<1x1x16xf32>,
        %get3A_491 = vector.shape_cast %get3A_490 : vector<1x1x16xf32> to vector<16xf32>
        %add3A_492 = arith.addf %add3A_410, %get3A_491 : vector<16xf32>
        %mul3A_493 = arith.constant 2 : i32
        %mul3A_494 = arith.muli %mul3A_493, %scan3A_445 : i32
        %add3A_495 = arith.constant 1 : i32
        %add3A_496 = arith.addi %mul3A_494, %add3A_495 : i32
        %get3A_497 = arith.constant 1 : i32
        %get3A_498 = arith.index_cast %get3A_497 : i32 to index
        %get3A_499 = arith.index_cast %add3A_496 : i32 to index
        %get3A_500 = arith.constant 16 : index
        %get3A_501 = tpu.vector_load %arg6[%get3A_498, %get3A_499, %get3A_500] {strides = array<i32>} : memref<4x200x64xf32, #tpu.memory_space<vmem>>, vector<1x1x16xf32>,
        %get3A_502 = vector.shape_cast %get3A_501 : vector<1x1x16xf32> to vector<16xf32>
        %add3A_503 = arith.addf %add3A_421, %get3A_502 : vector<16xf32>
        %mul3A_504 = arith.constant 2 : i32
        %mul3A_505 = arith.muli %mul3A_504, %scan3A_445 : i32
        %add3A_506 = arith.constant 1 : i32
        %add3A_507 = arith.addi %mul3A_505, %add3A_506 : i32
        %get3A_508 = arith.constant 1 : i32
        %get3A_509 = arith.index_cast %get3A_508 : i32 to index
        %get3A_510 = arith.index_cast %add3A_507 : i32 to index
        %get3A_511 = arith.constant 32 : index
        %get3A_512 = tpu.vector_load %arg6[%get3A_509, %get3A_510, %get3A_511] {strides = array<i32>} : memref<4x200x64xf32, #tpu.memory_space<vmem>>, vector<1x1x16xf32>,
        %get3A_513 = vector.shape_cast %get3A_512 : vector<1x1x16xf32> to vector<16xf32>
        %add3A_514 = arith.addf %add3A_432, %get3A_513 : vector<16xf32>
        %mul3A_515 = arith.constant 2 : i32
        %mul3A_516 = arith.muli %mul3A_515, %scan3A_445 : i32
        %add3A_517 = arith.constant 1 : i32
        %add3A_518 = arith.addi %mul3A_516, %add3A_517 : i32
        %get3A_519 = arith.constant 1 : i32
        %get3A_520 = arith.index_cast %get3A_519 : i32 to index
        %get3A_521 = arith.index_cast %add3A_518 : i32 to index
        %get3A_522 = arith.constant 48 : index
        %get3A_523 = tpu.vector_load %arg6[%get3A_520, %get3A_521, %get3A_522] {strides = array<i32>} : memref<4x200x64xf32, #tpu.memory_space<vmem>>, vector<1x1x16xf32>,
        %get3A_524 = vector.shape_cast %get3A_523 : vector<1x1x16xf32> to vector<16xf32>
        %add3A_525 = arith.addf %add3A_443, %get3A_524 : vector<16xf32>
        scf.yield %add3A_454, %add3A_463, %add3A_472, %add3A_481, %add3A_492, %add3A_503, %add3A_514, %add3A_525 : vector<16xf32>, vector<16xf32>, vector<16xf32>, vector<16xf32>, vector<16xf32>, vector<16xf32>, vector<16xf32>, vector<16xf32>
      }
      %scan3A_167 = arith.constant 100 : i32
      %add3A_168 = arith.addf %scan3A_166#0, %scan3A_166#4 : vector<16xf32>
      %mul3A_169 = vector.broadcast %scan3A : f32 to vector<16xf32>
      %mul3A_170 = arith.mulf %add3A_168, %mul3A_169 : vector<16xf32>
      %swap3A_171 = arith.index_cast %add3A_133 : i32 to index
      %swap3A_172 = arith.constant 0 : index
      %swap3A_173 = tpu.vector_load %arg7[%swap3A_171, %swap3A_172] {strides = array<i32>} : memref<128x64xf32, #tpu.memory_space<vmem>>, vector<1x16xf32>,
      %swap3A_174 = vector.shape_cast %swap3A_173 : vector<1x16xf32> to vector<16xf32>
      %swap3A_175 = vector.shape_cast %mul3A_170 : vector<16xf32> to vector<1x16xf32>
      tpu.vector_store %arg7[%swap3A_171, %swap3A_172], %swap3A_175 {strides = array<i32>} : memref<128x64xf32, #tpu.memory_space<vmem>>, vector<1x16xf32>,
      %add3A_176 = arith.addf %scan3A_166#1, %scan3A_166#5 : vector<16xf32>
      %mul3A_177 = vector.broadcast %scan3A : f32 to vector<16xf32>
      %mul3A_178 = arith.mulf %add3A_176, %mul3A_177 : vector<16xf32>
      %swap3A_179 = arith.index_cast %add3A_133 : i32 to index
      %swap3A_180 = arith.constant 16 : index
      %swap3A_181 = tpu.vector_load %arg7[%swap3A_179, %swap3A_180] {strides = array<i32>} : memref<128x64xf32, #tpu.memory_space<vmem>>, vector<1x16xf32>,
      %swap3A_182 = vector.shape_cast %swap3A_181 : vector<1x16xf32> to vector<16xf32>
      %swap3A_183 = vector.shape_cast %mul3A_178 : vector<16xf32> to vector<1x16xf32>
      tpu.vector_store %arg7[%swap3A_179, %swap3A_180], %swap3A_183 {strides = array<i32>} : memref<128x64xf32, #tpu.memory_space<vmem>>, vector<1x16xf32>,
      %add3A_184 = arith.addf %scan3A_166#2, %scan3A_166#6 : vector<16xf32>
      %mul3A_185 = vector.broadcast %scan3A : f32 to vector<16xf32>
      %mul3A_186 = arith.mulf %add3A_184, %mul3A_185 : vector<16xf32>
      %swap3A_187 = arith.index_cast %add3A_133 : i32 to index
      %swap3A_188 = arith.constant 32 : index
      %swap3A_189 = tpu.vector_load %arg7[%swap3A_187, %swap3A_188] {strides = array<i32>} : memref<128x64xf32, #tpu.memory_space<vmem>>, vector<1x16xf32>,
      %swap3A_190 = vector.shape_cast %swap3A_189 : vector<1x16xf32> to vector<16xf32>
      %swap3A_191 = vector.shape_cast %mul3A_186 : vector<16xf32> to vector<1x16xf32>
      tpu.vector_store %arg7[%swap3A_187, %swap3A_188], %swap3A_191 {strides = array<i32>} : memref<128x64xf32, #tpu.memory_space<vmem>>, vector<1x16xf32>,
      %add3A_192 = arith.addf %scan3A_166#3, %scan3A_166#7 : vector<16xf32>
      %mul3A_193 = vector.broadcast %scan3A : f32 to vector<16xf32>
      %mul3A_194 = arith.mulf %add3A_192, %mul3A_193 : vector<16xf32>
      %swap3A_195 = arith.index_cast %add3A_133 : i32 to index
      %swap3A_196 = arith.constant 48 : index
      %swap3A_197 = tpu.vector_load %arg7[%swap3A_195, %swap3A_196] {strides = array<i32>} : memref<128x64xf32, #tpu.memory_space<vmem>>, vector<1x16xf32>,
      %swap3A_198 = vector.shape_cast %swap3A_197 : vector<1x16xf32> to vector<16xf32>
      %swap3A_199 = vector.shape_cast %mul3A_194 : vector<16xf32> to vector<1x16xf32>
      tpu.vector_store %arg7[%swap3A_195, %swap3A_196], %swap3A_199 {strides = array<i32>} : memref<128x64xf32, #tpu.memory_space<vmem>>, vector<1x16xf32>,
      %lt3A_200 = arith.constant 124 : i32
      %lt3A_201 = arith.cmpi slt, %add3A_133, %lt3A_200 : i32
      %convert_element_type3A_202 = arith.extui %lt3A_201 : i1 to i32
      %cond3A_203 = arith.constant 0 : i32
      %cond3A_204 = arith.cmpi ne, %convert_element_type3A_202, %cond3A_203 : i32
      scf.if %cond3A_204 {
        %add3A_356 = arith.constant 4 : i32
        %add3A_357 = arith.addi %add3A_133, %add3A_356 : i32
        %dma_start3A_358 = arith.constant 1 : i32
        %dma_start3A_359 = arith.constant 0 : i32
        %dma_start3A_360 = arith.constant 0 : i32
        %dma_start3A_361 = tpu.memref_slice %arg6[%dma_start3A_358, %dma_start3A_359, %dma_start3A_360] : memref<4x200x64xf32, #tpu.memory_space<vmem>> -> memref<1x200x64xf32, #tpu.memory_space<vmem>>
        %dma_start3A_362 = tpu.memref_squeeze %dma_start3A_361 : memref<1x200x64xf32, #tpu.memory_space<vmem>> -> memref<200x64xf32, #tpu.memory_space<vmem>>
        %dma_start3A_363 = arith.constant 0 : i32
        %dma_start3A_364 = tpu.memref_slice %arg5[%add3A_357, %dma_start3A_363] : memref<128x200xi32, #tpu.memory_space<vmem>> -> memref<1x200xi32, #tpu.memory_space<vmem>>
        %dma_start3A_365 = tpu.memref_squeeze %dma_start3A_364 : memref<1x200xi32, #tpu.memory_space<vmem>> -> memref<200xi32, #tpu.memory_space<vmem>>
        %dma_start3A_366 = arith.constant 0 : i32
        %dma_start3A_367 = arith.constant 0 : i32
        %dma_start3A_368 = tpu.memref_slice %arg3[%dma_start3A_366, %dma_start3A_367] : memref<1000000x64xf32, #tpu.memory_space<hbm>> -> memref<1000000x64xf32, #tpu.memory_space<hbm>>
        tpu.enqueue_indirect_dma source(%dma_start3A_368 : memref<1000000x64xf32, #tpu.memory_space<hbm>>) target(%dma_start3A_362 : memref<200x64xf32, #tpu.memory_space<vmem>>) offsets(%dma_start3A_365 : memref<200xi32, #tpu.memory_space<vmem>>) semaphore(%arg9 : memref<!tpu.dma_semaphore, #tpu.memory_space<semaphore_mem>>)
      } else {
      }
      %mul3A_205 = arith.constant 4 : i32
      %mul3A_206 = arith.muli %scan3A_59, %mul3A_205 : i32
      %add3A_207 = arith.constant 2 : i32
      %add3A_208 = arith.addi %mul3A_206, %add3A_207 : i32
      %dma_wait3A_209 = arith.constant 0 : i32
      %dma_wait3A_210 = arith.constant 2 : i32
      %dma_wait3A_211 = arith.constant 0 : i32
      %dma_wait3A_212 = arith.constant 0 : i32
      %dma_wait3A_213 = tpu.memref_slice %arg6[%dma_wait3A_210, %dma_wait3A_211, %dma_wait3A_212] : memref<4x200x64xf32, #tpu.memory_space<vmem>> -> memref<1x200x64xf32, #tpu.memory_space<vmem>>
      %dma_wait3A_214 = tpu.memref_squeeze %dma_wait3A_213 : memref<1x200x64xf32, #tpu.memory_space<vmem>> -> memref<200x64xf32, #tpu.memory_space<vmem>>
      %dma_wait3A_215 = arith.constant 0 : i32
      %dma_wait3A_216 = tpu.memref_slice %arg5[%dma_wait3A_209, %dma_wait3A_215] : memref<128x200xi32, #tpu.memory_space<vmem>> -> memref<1x200xi32, #tpu.memory_space<vmem>>
      %dma_wait3A_217 = tpu.memref_squeeze %dma_wait3A_216 : memref<1x200xi32, #tpu.memory_space<vmem>> -> memref<200xi32, #tpu.memory_space<vmem>>
      %dma_wait3A_218 = arith.constant 0 : i32
      %dma_wait3A_219 = arith.constant 0 : i32
      %dma_wait3A_220 = tpu.memref_slice %arg3[%dma_wait3A_218, %dma_wait3A_219] : memref<1000000x64xf32, #tpu.memory_space<hbm>> -> memref<1000000x64xf32, #tpu.memory_space<hbm>>
      tpu.wait_indirect_dma semaphore(%arg10 : memref<!tpu.dma_semaphore, #tpu.memory_space<semaphore_mem>>) src(%dma_wait3A_220 : memref<1000000x64xf32, #tpu.memory_space<hbm>>) dst(%dma_wait3A_214 : memref<200x64xf32, #tpu.memory_space<vmem>>)
      %broadcast_in_dim3A_221 = arith.constant 0.000000e+00 : f32
      %broadcast_in_dim3A_222 = vector.broadcast %broadcast_in_dim3A_221 : f32 to vector<16xf32>
      %broadcast_in_dim3A_223 = arith.constant 0.000000e+00 : f32
      %broadcast_in_dim3A_224 = vector.broadcast %broadcast_in_dim3A_223 : f32 to vector<16xf32>
      %broadcast_in_dim3A_225 = arith.constant 0.000000e+00 : f32
      %broadcast_in_dim3A_226 = vector.broadcast %broadcast_in_dim3A_225 : f32 to vector<16xf32>
      %broadcast_in_dim3A_227 = arith.constant 0.000000e+00 : f32
      %broadcast_in_dim3A_228 = vector.broadcast %broadcast_in_dim3A_227 : f32 to vector<16xf32>
      %broadcast_in_dim3A_229 = arith.constant 0.000000e+00 : f32
      %broadcast_in_dim3A_230 = vector.broadcast %broadcast_in_dim3A_229 : f32 to vector<16xf32>
      %broadcast_in_dim3A_231 = arith.constant 0.000000e+00 : f32
      %broadcast_in_dim3A_232 = vector.broadcast %broadcast_in_dim3A_231 : f32 to vector<16xf32>
      %broadcast_in_dim3A_233 = arith.constant 0.000000e+00 : f32
      %broadcast_in_dim3A_234 = vector.broadcast %broadcast_in_dim3A_233 : f32 to vector<16xf32>
      %broadcast_in_dim3A_235 = arith.constant 0.000000e+00 : f32
      %broadcast_in_dim3A_236 = vector.broadcast %broadcast_in_dim3A_235 : f32 to vector<16xf32>
      %scan3A_237 = arith.constant 0 : i32
      %scan3A_238 = arith.constant 100 : i32
      %scan3A_239 = arith.addi %scan3A_237, %scan3A_238 : i32
      %scan3A_240 = arith.constant 2 : i32
      %scan3A_241:8 = scf.for %scan3A_356 = %scan3A_237 to %scan3A_239 step %scan3A_240 iter_args(%scan3A_357 = %broadcast_in_dim3A_222, %scan3A_358 = %broadcast_in_dim3A_224, %scan3A_359 = %broadcast_in_dim3A_226, %scan3A_360 = %broadcast_in_dim3A_228, %scan3A_361 = %broadcast_in_dim3A_230, %scan3A_362 = %broadcast_in_dim3A_232, %scan3A_363 = %broadcast_in_dim3A_234, %scan3A_364 = %broadcast_in_dim3A_236) -> (vector<16xf32>, vector<16xf32>, vector<16xf32>, vector<16xf32>, vector<16xf32>, vector<16xf32>, vector<16xf32>, vector<16xf32>)  : i32 {
        %mul3A_365 = arith.constant 2 : i32
        %mul3A_366 = arith.muli %mul3A_365, %scan3A_356 : i32
        %get3A = arith.constant 2 : i32
        %get3A_367 = arith.index_cast %get3A : i32 to index
        %get3A_368 = arith.index_cast %mul3A_366 : i32 to index
        %get3A_369 = arith.constant 0 : index
        %get3A_370 = tpu.vector_load %arg6[%get3A_367, %get3A_368, %get3A_369] {strides = array<i32>} : memref<4x200x64xf32, #tpu.memory_space<vmem>>, vector<1x1x16xf32>,
        %get3A_371 = vector.shape_cast %get3A_370 : vector<1x1x16xf32> to vector<16xf32>
        %add3A_372 = arith.addf %scan3A_357, %get3A_371 : vector<16xf32>
        %mul3A_373 = arith.constant 2 : i32
        %mul3A_374 = arith.muli %mul3A_373, %scan3A_356 : i32
        %get3A_375 = arith.constant 2 : i32
        %get3A_376 = arith.index_cast %get3A_375 : i32 to index
        %get3A_377 = arith.index_cast %mul3A_374 : i32 to index
        %get3A_378 = arith.constant 16 : index
        %get3A_379 = tpu.vector_load %arg6[%get3A_376, %get3A_377, %get3A_378] {strides = array<i32>} : memref<4x200x64xf32, #tpu.memory_space<vmem>>, vector<1x1x16xf32>,
        %get3A_380 = vector.shape_cast %get3A_379 : vector<1x1x16xf32> to vector<16xf32>
        %add3A_381 = arith.addf %scan3A_358, %get3A_380 : vector<16xf32>
        %mul3A_382 = arith.constant 2 : i32
        %mul3A_383 = arith.muli %mul3A_382, %scan3A_356 : i32
        %get3A_384 = arith.constant 2 : i32
        %get3A_385 = arith.index_cast %get3A_384 : i32 to index
        %get3A_386 = arith.index_cast %mul3A_383 : i32 to index
        %get3A_387 = arith.constant 32 : index
        %get3A_388 = tpu.vector_load %arg6[%get3A_385, %get3A_386, %get3A_387] {strides = array<i32>} : memref<4x200x64xf32, #tpu.memory_space<vmem>>, vector<1x1x16xf32>,
        %get3A_389 = vector.shape_cast %get3A_388 : vector<1x1x16xf32> to vector<16xf32>
        %add3A_390 = arith.addf %scan3A_359, %get3A_389 : vector<16xf32>
        %mul3A_391 = arith.constant 2 : i32
        %mul3A_392 = arith.muli %mul3A_391, %scan3A_356 : i32
        %get3A_393 = arith.constant 2 : i32
        %get3A_394 = arith.index_cast %get3A_393 : i32 to index
        %get3A_395 = arith.index_cast %mul3A_392 : i32 to index
        %get3A_396 = arith.constant 48 : index
        %get3A_397 = tpu.vector_load %arg6[%get3A_394, %get3A_395, %get3A_396] {strides = array<i32>} : memref<4x200x64xf32, #tpu.memory_space<vmem>>, vector<1x1x16xf32>,
        %get3A_398 = vector.shape_cast %get3A_397 : vector<1x1x16xf32> to vector<16xf32>
        %add3A_399 = arith.addf %scan3A_360, %get3A_398 : vector<16xf32>
        %mul3A_400 = arith.constant 2 : i32
        %mul3A_401 = arith.muli %mul3A_400, %scan3A_356 : i32
        %add3A_402 = arith.constant 1 : i32
        %add3A_403 = arith.addi %mul3A_401, %add3A_402 : i32
        %get3A_404 = arith.constant 2 : i32
        %get3A_405 = arith.index_cast %get3A_404 : i32 to index
        %get3A_406 = arith.index_cast %add3A_403 : i32 to index
        %get3A_407 = arith.constant 0 : index
        %get3A_408 = tpu.vector_load %arg6[%get3A_405, %get3A_406, %get3A_407] {strides = array<i32>} : memref<4x200x64xf32, #tpu.memory_space<vmem>>, vector<1x1x16xf32>,
        %get3A_409 = vector.shape_cast %get3A_408 : vector<1x1x16xf32> to vector<16xf32>
        %add3A_410 = arith.addf %scan3A_361, %get3A_409 : vector<16xf32>
        %mul3A_411 = arith.constant 2 : i32
        %mul3A_412 = arith.muli %mul3A_411, %scan3A_356 : i32
        %add3A_413 = arith.constant 1 : i32
        %add3A_414 = arith.addi %mul3A_412, %add3A_413 : i32
        %get3A_415 = arith.constant 2 : i32
        %get3A_416 = arith.index_cast %get3A_415 : i32 to index
        %get3A_417 = arith.index_cast %add3A_414 : i32 to index
        %get3A_418 = arith.constant 16 : index
        %get3A_419 = tpu.vector_load %arg6[%get3A_416, %get3A_417, %get3A_418] {strides = array<i32>} : memref<4x200x64xf32, #tpu.memory_space<vmem>>, vector<1x1x16xf32>,
        %get3A_420 = vector.shape_cast %get3A_419 : vector<1x1x16xf32> to vector<16xf32>
        %add3A_421 = arith.addf %scan3A_362, %get3A_420 : vector<16xf32>
        %mul3A_422 = arith.constant 2 : i32
        %mul3A_423 = arith.muli %mul3A_422, %scan3A_356 : i32
        %add3A_424 = arith.constant 1 : i32
        %add3A_425 = arith.addi %mul3A_423, %add3A_424 : i32
        %get3A_426 = arith.constant 2 : i32
        %get3A_427 = arith.index_cast %get3A_426 : i32 to index
        %get3A_428 = arith.index_cast %add3A_425 : i32 to index
        %get3A_429 = arith.constant 32 : index
        %get3A_430 = tpu.vector_load %arg6[%get3A_427, %get3A_428, %get3A_429] {strides = array<i32>} : memref<4x200x64xf32, #tpu.memory_space<vmem>>, vector<1x1x16xf32>,
        %get3A_431 = vector.shape_cast %get3A_430 : vector<1x1x16xf32> to vector<16xf32>
        %add3A_432 = arith.addf %scan3A_363, %get3A_431 : vector<16xf32>
        %mul3A_433 = arith.constant 2 : i32
        %mul3A_434 = arith.muli %mul3A_433, %scan3A_356 : i32
        %add3A_435 = arith.constant 1 : i32
        %add3A_436 = arith.addi %mul3A_434, %add3A_435 : i32
        %get3A_437 = arith.constant 2 : i32
        %get3A_438 = arith.index_cast %get3A_437 : i32 to index
        %get3A_439 = arith.index_cast %add3A_436 : i32 to index
        %get3A_440 = arith.constant 48 : index
        %get3A_441 = tpu.vector_load %arg6[%get3A_438, %get3A_439, %get3A_440] {strides = array<i32>} : memref<4x200x64xf32, #tpu.memory_space<vmem>>, vector<1x1x16xf32>,
        %get3A_442 = vector.shape_cast %get3A_441 : vector<1x1x16xf32> to vector<16xf32>
        %add3A_443 = arith.addf %scan3A_364, %get3A_442 : vector<16xf32>
        %scan3A_444 = arith.constant 1 : i32
        %scan3A_445 = arith.addi %scan3A_356, %scan3A_444 : i32
        %mul3A_446 = arith.constant 2 : i32
        %mul3A_447 = arith.muli %mul3A_446, %scan3A_445 : i32
        %get3A_448 = arith.constant 2 : i32
        %get3A_449 = arith.index_cast %get3A_448 : i32 to index
        %get3A_450 = arith.index_cast %mul3A_447 : i32 to index
        %get3A_451 = arith.constant 0 : index
        %get3A_452 = tpu.vector_load %arg6[%get3A_449, %get3A_450, %get3A_451] {strides = array<i32>} : memref<4x200x64xf32, #tpu.memory_space<vmem>>, vector<1x1x16xf32>,
        %get3A_453 = vector.shape_cast %get3A_452 : vector<1x1x16xf32> to vector<16xf32>
        %add3A_454 = arith.addf %add3A_372, %get3A_453 : vector<16xf32>
        %mul3A_455 = arith.constant 2 : i32
        %mul3A_456 = arith.muli %mul3A_455, %scan3A_445 : i32
        %get3A_457 = arith.constant 2 : i32
        %get3A_458 = arith.index_cast %get3A_457 : i32 to index
        %get3A_459 = arith.index_cast %mul3A_456 : i32 to index
        %get3A_460 = arith.constant 16 : index
        %get3A_461 = tpu.vector_load %arg6[%get3A_458, %get3A_459, %get3A_460] {strides = array<i32>} : memref<4x200x64xf32, #tpu.memory_space<vmem>>, vector<1x1x16xf32>,
        %get3A_462 = vector.shape_cast %get3A_461 : vector<1x1x16xf32> to vector<16xf32>
        %add3A_463 = arith.addf %add3A_381, %get3A_462 : vector<16xf32>
        %mul3A_464 = arith.constant 2 : i32
        %mul3A_465 = arith.muli %mul3A_464, %scan3A_445 : i32
        %get3A_466 = arith.constant 2 : i32
        %get3A_467 = arith.index_cast %get3A_466 : i32 to index
        %get3A_468 = arith.index_cast %mul3A_465 : i32 to index
        %get3A_469 = arith.constant 32 : index
        %get3A_470 = tpu.vector_load %arg6[%get3A_467, %get3A_468, %get3A_469] {strides = array<i32>} : memref<4x200x64xf32, #tpu.memory_space<vmem>>, vector<1x1x16xf32>,
        %get3A_471 = vector.shape_cast %get3A_470 : vector<1x1x16xf32> to vector<16xf32>
        %add3A_472 = arith.addf %add3A_390, %get3A_471 : vector<16xf32>
        %mul3A_473 = arith.constant 2 : i32
        %mul3A_474 = arith.muli %mul3A_473, %scan3A_445 : i32
        %get3A_475 = arith.constant 2 : i32
        %get3A_476 = arith.index_cast %get3A_475 : i32 to index
        %get3A_477 = arith.index_cast %mul3A_474 : i32 to index
        %get3A_478 = arith.constant 48 : index
        %get3A_479 = tpu.vector_load %arg6[%get3A_476, %get3A_477, %get3A_478] {strides = array<i32>} : memref<4x200x64xf32, #tpu.memory_space<vmem>>, vector<1x1x16xf32>,
        %get3A_480 = vector.shape_cast %get3A_479 : vector<1x1x16xf32> to vector<16xf32>
        %add3A_481 = arith.addf %add3A_399, %get3A_480 : vector<16xf32>
        %mul3A_482 = arith.constant 2 : i32
        %mul3A_483 = arith.muli %mul3A_482, %scan3A_445 : i32
        %add3A_484 = arith.constant 1 : i32
        %add3A_485 = arith.addi %mul3A_483, %add3A_484 : i32
        %get3A_486 = arith.constant 2 : i32
        %get3A_487 = arith.index_cast %get3A_486 : i32 to index
        %get3A_488 = arith.index_cast %add3A_485 : i32 to index
        %get3A_489 = arith.constant 0 : index
        %get3A_490 = tpu.vector_load %arg6[%get3A_487, %get3A_488, %get3A_489] {strides = array<i32>} : memref<4x200x64xf32, #tpu.memory_space<vmem>>, vector<1x1x16xf32>,
        %get3A_491 = vector.shape_cast %get3A_490 : vector<1x1x16xf32> to vector<16xf32>
        %add3A_492 = arith.addf %add3A_410, %get3A_491 : vector<16xf32>
        %mul3A_493 = arith.constant 2 : i32
        %mul3A_494 = arith.muli %mul3A_493, %scan3A_445 : i32
        %add3A_495 = arith.constant 1 : i32
        %add3A_496 = arith.addi %mul3A_494, %add3A_495 : i32
        %get3A_497 = arith.constant 2 : i32
        %get3A_498 = arith.index_cast %get3A_497 : i32 to index
        %get3A_499 = arith.index_cast %add3A_496 : i32 to index
        %get3A_500 = arith.constant 16 : index
        %get3A_501 = tpu.vector_load %arg6[%get3A_498, %get3A_499, %get3A_500] {strides = array<i32>} : memref<4x200x64xf32, #tpu.memory_space<vmem>>, vector<1x1x16xf32>,
        %get3A_502 = vector.shape_cast %get3A_501 : vector<1x1x16xf32> to vector<16xf32>
        %add3A_503 = arith.addf %add3A_421, %get3A_502 : vector<16xf32>
        %mul3A_504 = arith.constant 2 : i32
        %mul3A_505 = arith.muli %mul3A_504, %scan3A_445 : i32
        %add3A_506 = arith.constant 1 : i32
        %add3A_507 = arith.addi %mul3A_505, %add3A_506 : i32
        %get3A_508 = arith.constant 2 : i32
        %get3A_509 = arith.index_cast %get3A_508 : i32 to index
        %get3A_510 = arith.index_cast %add3A_507 : i32 to index
        %get3A_511 = arith.constant 32 : index
        %get3A_512 = tpu.vector_load %arg6[%get3A_509, %get3A_510, %get3A_511] {strides = array<i32>} : memref<4x200x64xf32, #tpu.memory_space<vmem>>, vector<1x1x16xf32>,
        %get3A_513 = vector.shape_cast %get3A_512 : vector<1x1x16xf32> to vector<16xf32>
        %add3A_514 = arith.addf %add3A_432, %get3A_513 : vector<16xf32>
        %mul3A_515 = arith.constant 2 : i32
        %mul3A_516 = arith.muli %mul3A_515, %scan3A_445 : i32
        %add3A_517 = arith.constant 1 : i32
        %add3A_518 = arith.addi %mul3A_516, %add3A_517 : i32
        %get3A_519 = arith.constant 2 : i32
        %get3A_520 = arith.index_cast %get3A_519 : i32 to index
        %get3A_521 = arith.index_cast %add3A_518 : i32 to index
        %get3A_522 = arith.constant 48 : index
        %get3A_523 = tpu.vector_load %arg6[%get3A_520, %get3A_521, %get3A_522] {strides = array<i32>} : memref<4x200x64xf32, #tpu.memory_space<vmem>>, vector<1x1x16xf32>,
        %get3A_524 = vector.shape_cast %get3A_523 : vector<1x1x16xf32> to vector<16xf32>
        %add3A_525 = arith.addf %add3A_443, %get3A_524 : vector<16xf32>
        scf.yield %add3A_454, %add3A_463, %add3A_472, %add3A_481, %add3A_492, %add3A_503, %add3A_514, %add3A_525 : vector<16xf32>, vector<16xf32>, vector<16xf32>, vector<16xf32>, vector<16xf32>, vector<16xf32>, vector<16xf32>, vector<16xf32>
      }
      %scan3A_242 = arith.constant 100 : i32
      %add3A_243 = arith.addf %scan3A_241#0, %scan3A_241#4 : vector<16xf32>
      %mul3A_244 = vector.broadcast %scan3A : f32 to vector<16xf32>
      %mul3A_245 = arith.mulf %add3A_243, %mul3A_244 : vector<16xf32>
      %swap3A_246 = arith.index_cast %add3A_208 : i32 to index
      %swap3A_247 = arith.constant 0 : index
      %swap3A_248 = tpu.vector_load %arg7[%swap3A_246, %swap3A_247] {strides = array<i32>} : memref<128x64xf32, #tpu.memory_space<vmem>>, vector<1x16xf32>,
      %swap3A_249 = vector.shape_cast %swap3A_248 : vector<1x16xf32> to vector<16xf32>
      %swap3A_250 = vector.shape_cast %mul3A_245 : vector<16xf32> to vector<1x16xf32>
      tpu.vector_store %arg7[%swap3A_246, %swap3A_247], %swap3A_250 {strides = array<i32>} : memref<128x64xf32, #tpu.memory_space<vmem>>, vector<1x16xf32>,
      %add3A_251 = arith.addf %scan3A_241#1, %scan3A_241#5 : vector<16xf32>
      %mul3A_252 = vector.broadcast %scan3A : f32 to vector<16xf32>
      %mul3A_253 = arith.mulf %add3A_251, %mul3A_252 : vector<16xf32>
      %swap3A_254 = arith.index_cast %add3A_208 : i32 to index
      %swap3A_255 = arith.constant 16 : index
      %swap3A_256 = tpu.vector_load %arg7[%swap3A_254, %swap3A_255] {strides = array<i32>} : memref<128x64xf32, #tpu.memory_space<vmem>>, vector<1x16xf32>,
      %swap3A_257 = vector.shape_cast %swap3A_256 : vector<1x16xf32> to vector<16xf32>
      %swap3A_258 = vector.shape_cast %mul3A_253 : vector<16xf32> to vector<1x16xf32>
      tpu.vector_store %arg7[%swap3A_254, %swap3A_255], %swap3A_258 {strides = array<i32>} : memref<128x64xf32, #tpu.memory_space<vmem>>, vector<1x16xf32>,
      %add3A_259 = arith.addf %scan3A_241#2, %scan3A_241#6 : vector<16xf32>
      %mul3A_260 = vector.broadcast %scan3A : f32 to vector<16xf32>
      %mul3A_261 = arith.mulf %add3A_259, %mul3A_260 : vector<16xf32>
      %swap3A_262 = arith.index_cast %add3A_208 : i32 to index
      %swap3A_263 = arith.constant 32 : index
      %swap3A_264 = tpu.vector_load %arg7[%swap3A_262, %swap3A_263] {strides = array<i32>} : memref<128x64xf32, #tpu.memory_space<vmem>>, vector<1x16xf32>,
      %swap3A_265 = vector.shape_cast %swap3A_264 : vector<1x16xf32> to vector<16xf32>
      %swap3A_266 = vector.shape_cast %mul3A_261 : vector<16xf32> to vector<1x16xf32>
      tpu.vector_store %arg7[%swap3A_262, %swap3A_263], %swap3A_266 {strides = array<i32>} : memref<128x64xf32, #tpu.memory_space<vmem>>, vector<1x16xf32>,
      %add3A_267 = arith.addf %scan3A_241#3, %scan3A_241#7 : vector<16xf32>
      %mul3A_268 = vector.broadcast %scan3A : f32 to vector<16xf32>
      %mul3A_269 = arith.mulf %add3A_267, %mul3A_268 : vector<16xf32>
      %swap3A_270 = arith.index_cast %add3A_208 : i32 to index
      %swap3A_271 = arith.constant 48 : index
      %swap3A_272 = tpu.vector_load %arg7[%swap3A_270, %swap3A_271] {strides = array<i32>} : memref<128x64xf32, #tpu.memory_space<vmem>>, vector<1x16xf32>,
      %swap3A_273 = vector.shape_cast %swap3A_272 : vector<1x16xf32> to vector<16xf32>
      %swap3A_274 = vector.shape_cast %mul3A_269 : vector<16xf32> to vector<1x16xf32>
      tpu.vector_store %arg7[%swap3A_270, %swap3A_271], %swap3A_274 {strides = array<i32>} : memref<128x64xf32, #tpu.memory_space<vmem>>, vector<1x16xf32>,
      %lt3A_275 = arith.constant 124 : i32
      %lt3A_276 = arith.cmpi slt, %add3A_208, %lt3A_275 : i32
      %convert_element_type3A_277 = arith.extui %lt3A_276 : i1 to i32
      %cond3A_278 = arith.constant 0 : i32
      %cond3A_279 = arith.cmpi ne, %convert_element_type3A_277, %cond3A_278 : i32
      scf.if %cond3A_279 {
        %add3A_356 = arith.constant 4 : i32
        %add3A_357 = arith.addi %add3A_208, %add3A_356 : i32
        %dma_start3A_358 = arith.constant 2 : i32
        %dma_start3A_359 = arith.constant 0 : i32
        %dma_start3A_360 = arith.constant 0 : i32
        %dma_start3A_361 = tpu.memref_slice %arg6[%dma_start3A_358, %dma_start3A_359, %dma_start3A_360] : memref<4x200x64xf32, #tpu.memory_space<vmem>> -> memref<1x200x64xf32, #tpu.memory_space<vmem>>
        %dma_start3A_362 = tpu.memref_squeeze %dma_start3A_361 : memref<1x200x64xf32, #tpu.memory_space<vmem>> -> memref<200x64xf32, #tpu.memory_space<vmem>>
        %dma_start3A_363 = arith.constant 0 : i32
        %dma_start3A_364 = tpu.memref_slice %arg5[%add3A_357, %dma_start3A_363] : memref<128x200xi32, #tpu.memory_space<vmem>> -> memref<1x200xi32, #tpu.memory_space<vmem>>
        %dma_start3A_365 = tpu.memref_squeeze %dma_start3A_364 : memref<1x200xi32, #tpu.memory_space<vmem>> -> memref<200xi32, #tpu.memory_space<vmem>>
        %dma_start3A_366 = arith.constant 0 : i32
        %dma_start3A_367 = arith.constant 0 : i32
        %dma_start3A_368 = tpu.memref_slice %arg3[%dma_start3A_366, %dma_start3A_367] : memref<1000000x64xf32, #tpu.memory_space<hbm>> -> memref<1000000x64xf32, #tpu.memory_space<hbm>>
        tpu.enqueue_indirect_dma source(%dma_start3A_368 : memref<1000000x64xf32, #tpu.memory_space<hbm>>) target(%dma_start3A_362 : memref<200x64xf32, #tpu.memory_space<vmem>>) offsets(%dma_start3A_365 : memref<200xi32, #tpu.memory_space<vmem>>) semaphore(%arg10 : memref<!tpu.dma_semaphore, #tpu.memory_space<semaphore_mem>>)
      } else {
      }
      %mul3A_280 = arith.constant 4 : i32
      %mul3A_281 = arith.muli %scan3A_59, %mul3A_280 : i32
      %add3A_282 = arith.constant 3 : i32
      %add3A_283 = arith.addi %mul3A_281, %add3A_282 : i32
      %dma_wait3A_284 = arith.constant 0 : i32
      %dma_wait3A_285 = arith.constant 3 : i32
      %dma_wait3A_286 = arith.constant 0 : i32
      %dma_wait3A_287 = arith.constant 0 : i32
      %dma_wait3A_288 = tpu.memref_slice %arg6[%dma_wait3A_285, %dma_wait3A_286, %dma_wait3A_287] : memref<4x200x64xf32, #tpu.memory_space<vmem>> -> memref<1x200x64xf32, #tpu.memory_space<vmem>>
      %dma_wait3A_289 = tpu.memref_squeeze %dma_wait3A_288 : memref<1x200x64xf32, #tpu.memory_space<vmem>> -> memref<200x64xf32, #tpu.memory_space<vmem>>
      %dma_wait3A_290 = arith.constant 0 : i32
      %dma_wait3A_291 = tpu.memref_slice %arg5[%dma_wait3A_284, %dma_wait3A_290] : memref<128x200xi32, #tpu.memory_space<vmem>> -> memref<1x200xi32, #tpu.memory_space<vmem>>
      %dma_wait3A_292 = tpu.memref_squeeze %dma_wait3A_291 : memref<1x200xi32, #tpu.memory_space<vmem>> -> memref<200xi32, #tpu.memory_space<vmem>>
      %dma_wait3A_293 = arith.constant 0 : i32
      %dma_wait3A_294 = arith.constant 0 : i32
      %dma_wait3A_295 = tpu.memref_slice %arg3[%dma_wait3A_293, %dma_wait3A_294] : memref<1000000x64xf32, #tpu.memory_space<hbm>> -> memref<1000000x64xf32, #tpu.memory_space<hbm>>
      tpu.wait_indirect_dma semaphore(%arg11 : memref<!tpu.dma_semaphore, #tpu.memory_space<semaphore_mem>>) src(%dma_wait3A_295 : memref<1000000x64xf32, #tpu.memory_space<hbm>>) dst(%dma_wait3A_289 : memref<200x64xf32, #tpu.memory_space<vmem>>)
      %broadcast_in_dim3A_296 = arith.constant 0.000000e+00 : f32
      %broadcast_in_dim3A_297 = vector.broadcast %broadcast_in_dim3A_296 : f32 to vector<16xf32>
      %broadcast_in_dim3A_298 = arith.constant 0.000000e+00 : f32
      %broadcast_in_dim3A_299 = vector.broadcast %broadcast_in_dim3A_298 : f32 to vector<16xf32>
      %broadcast_in_dim3A_300 = arith.constant 0.000000e+00 : f32
      %broadcast_in_dim3A_301 = vector.broadcast %broadcast_in_dim3A_300 : f32 to vector<16xf32>
      %broadcast_in_dim3A_302 = arith.constant 0.000000e+00 : f32
      %broadcast_in_dim3A_303 = vector.broadcast %broadcast_in_dim3A_302 : f32 to vector<16xf32>
      %broadcast_in_dim3A_304 = arith.constant 0.000000e+00 : f32
      %broadcast_in_dim3A_305 = vector.broadcast %broadcast_in_dim3A_304 : f32 to vector<16xf32>
      %broadcast_in_dim3A_306 = arith.constant 0.000000e+00 : f32
      %broadcast_in_dim3A_307 = vector.broadcast %broadcast_in_dim3A_306 : f32 to vector<16xf32>
      %broadcast_in_dim3A_308 = arith.constant 0.000000e+00 : f32
      %broadcast_in_dim3A_309 = vector.broadcast %broadcast_in_dim3A_308 : f32 to vector<16xf32>
      %broadcast_in_dim3A_310 = arith.constant 0.000000e+00 : f32
      %broadcast_in_dim3A_311 = vector.broadcast %broadcast_in_dim3A_310 : f32 to vector<16xf32>
      %scan3A_312 = arith.constant 0 : i32
      %scan3A_313 = arith.constant 100 : i32
      %scan3A_314 = arith.addi %scan3A_312, %scan3A_313 : i32
      %scan3A_315 = arith.constant 2 : i32
      %scan3A_316:8 = scf.for %scan3A_356 = %scan3A_312 to %scan3A_314 step %scan3A_315 iter_args(%scan3A_357 = %broadcast_in_dim3A_297, %scan3A_358 = %broadcast_in_dim3A_299, %scan3A_359 = %broadcast_in_dim3A_301, %scan3A_360 = %broadcast_in_dim3A_303, %scan3A_361 = %broadcast_in_dim3A_305, %scan3A_362 = %broadcast_in_dim3A_307, %scan3A_363 = %broadcast_in_dim3A_309, %scan3A_364 = %broadcast_in_dim3A_311) -> (vector<16xf32>, vector<16xf32>, vector<16xf32>, vector<16xf32>, vector<16xf32>, vector<16xf32>, vector<16xf32>, vector<16xf32>)  : i32 {
        %mul3A_365 = arith.constant 2 : i32
        %mul3A_366 = arith.muli %mul3A_365, %scan3A_356 : i32
        %get3A = arith.constant 3 : i32
        %get3A_367 = arith.index_cast %get3A : i32 to index
        %get3A_368 = arith.index_cast %mul3A_366 : i32 to index
        %get3A_369 = arith.constant 0 : index
        %get3A_370 = tpu.vector_load %arg6[%get3A_367, %get3A_368, %get3A_369] {strides = array<i32>} : memref<4x200x64xf32, #tpu.memory_space<vmem>>, vector<1x1x16xf32>,
        %get3A_371 = vector.shape_cast %get3A_370 : vector<1x1x16xf32> to vector<16xf32>
        %add3A_372 = arith.addf %scan3A_357, %get3A_371 : vector<16xf32>
        %mul3A_373 = arith.constant 2 : i32
        %mul3A_374 = arith.muli %mul3A_373, %scan3A_356 : i32
        %get3A_375 = arith.constant 3 : i32
        %get3A_376 = arith.index_cast %get3A_375 : i32 to index
        %get3A_377 = arith.index_cast %mul3A_374 : i32 to index
        %get3A_378 = arith.constant 16 : index
        %get3A_379 = tpu.vector_load %arg6[%get3A_376, %get3A_377, %get3A_378] {strides = array<i32>} : memref<4x200x64xf32, #tpu.memory_space<vmem>>, vector<1x1x16xf32>,
        %get3A_380 = vector.shape_cast %get3A_379 : vector<1x1x16xf32> to vector<16xf32>
        %add3A_381 = arith.addf %scan3A_358, %get3A_380 : vector<16xf32>
        %mul3A_382 = arith.constant 2 : i32
        %mul3A_383 = arith.muli %mul3A_382, %scan3A_356 : i32
        %get3A_384 = arith.constant 3 : i32
        %get3A_385 = arith.index_cast %get3A_384 : i32 to index
        %get3A_386 = arith.index_cast %mul3A_383 : i32 to index
        %get3A_387 = arith.constant 32 : index
        %get3A_388 = tpu.vector_load %arg6[%get3A_385, %get3A_386, %get3A_387] {strides = array<i32>} : memref<4x200x64xf32, #tpu.memory_space<vmem>>, vector<1x1x16xf32>,
        %get3A_389 = vector.shape_cast %get3A_388 : vector<1x1x16xf32> to vector<16xf32>
        %add3A_390 = arith.addf %scan3A_359, %get3A_389 : vector<16xf32>
        %mul3A_391 = arith.constant 2 : i32
        %mul3A_392 = arith.muli %mul3A_391, %scan3A_356 : i32
        %get3A_393 = arith.constant 3 : i32
        %get3A_394 = arith.index_cast %get3A_393 : i32 to index
        %get3A_395 = arith.index_cast %mul3A_392 : i32 to index
        %get3A_396 = arith.constant 48 : index
        %get3A_397 = tpu.vector_load %arg6[%get3A_394, %get3A_395, %get3A_396] {strides = array<i32>} : memref<4x200x64xf32, #tpu.memory_space<vmem>>, vector<1x1x16xf32>,
        %get3A_398 = vector.shape_cast %get3A_397 : vector<1x1x16xf32> to vector<16xf32>
        %add3A_399 = arith.addf %scan3A_360, %get3A_398 : vector<16xf32>
        %mul3A_400 = arith.constant 2 : i32
        %mul3A_401 = arith.muli %mul3A_400, %scan3A_356 : i32
        %add3A_402 = arith.constant 1 : i32
        %add3A_403 = arith.addi %mul3A_401, %add3A_402 : i32
        %get3A_404 = arith.constant 3 : i32
        %get3A_405 = arith.index_cast %get3A_404 : i32 to index
        %get3A_406 = arith.index_cast %add3A_403 : i32 to index
        %get3A_407 = arith.constant 0 : index
        %get3A_408 = tpu.vector_load %arg6[%get3A_405, %get3A_406, %get3A_407] {strides = array<i32>} : memref<4x200x64xf32, #tpu.memory_space<vmem>>, vector<1x1x16xf32>,
        %get3A_409 = vector.shape_cast %get3A_408 : vector<1x1x16xf32> to vector<16xf32>
        %add3A_410 = arith.addf %scan3A_361, %get3A_409 : vector<16xf32>
        %mul3A_411 = arith.constant 2 : i32
        %mul3A_412 = arith.muli %mul3A_411, %scan3A_356 : i32
        %add3A_413 = arith.constant 1 : i32
        %add3A_414 = arith.addi %mul3A_412, %add3A_413 : i32
        %get3A_415 = arith.constant 3 : i32
        %get3A_416 = arith.index_cast %get3A_415 : i32 to index
        %get3A_417 = arith.index_cast %add3A_414 : i32 to index
        %get3A_418 = arith.constant 16 : index
        %get3A_419 = tpu.vector_load %arg6[%get3A_416, %get3A_417, %get3A_418] {strides = array<i32>} : memref<4x200x64xf32, #tpu.memory_space<vmem>>, vector<1x1x16xf32>,
        %get3A_420 = vector.shape_cast %get3A_419 : vector<1x1x16xf32> to vector<16xf32>
        %add3A_421 = arith.addf %scan3A_362, %get3A_420 : vector<16xf32>
        %mul3A_422 = arith.constant 2 : i32
        %mul3A_423 = arith.muli %mul3A_422, %scan3A_356 : i32
        %add3A_424 = arith.constant 1 : i32
        %add3A_425 = arith.addi %mul3A_423, %add3A_424 : i32
        %get3A_426 = arith.constant 3 : i32
        %get3A_427 = arith.index_cast %get3A_426 : i32 to index
        %get3A_428 = arith.index_cast %add3A_425 : i32 to index
        %get3A_429 = arith.constant 32 : index
        %get3A_430 = tpu.vector_load %arg6[%get3A_427, %get3A_428, %get3A_429] {strides = array<i32>} : memref<4x200x64xf32, #tpu.memory_space<vmem>>, vector<1x1x16xf32>,
        %get3A_431 = vector.shape_cast %get3A_430 : vector<1x1x16xf32> to vector<16xf32>
        %add3A_432 = arith.addf %scan3A_363, %get3A_431 : vector<16xf32>
        %mul3A_433 = arith.constant 2 : i32
        %mul3A_434 = arith.muli %mul3A_433, %scan3A_356 : i32
        %add3A_435 = arith.constant 1 : i32
        %add3A_436 = arith.addi %mul3A_434, %add3A_435 : i32
        %get3A_437 = arith.constant 3 : i32
        %get3A_438 = arith.index_cast %get3A_437 : i32 to index
        %get3A_439 = arith.index_cast %add3A_436 : i32 to index
        %get3A_440 = arith.constant 48 : index
        %get3A_441 = tpu.vector_load %arg6[%get3A_438, %get3A_439, %get3A_440] {strides = array<i32>} : memref<4x200x64xf32, #tpu.memory_space<vmem>>, vector<1x1x16xf32>,
        %get3A_442 = vector.shape_cast %get3A_441 : vector<1x1x16xf32> to vector<16xf32>
        %add3A_443 = arith.addf %scan3A_364, %get3A_442 : vector<16xf32>
        %scan3A_444 = arith.constant 1 : i32
        %scan3A_445 = arith.addi %scan3A_356, %scan3A_444 : i32
        %mul3A_446 = arith.constant 2 : i32
        %mul3A_447 = arith.muli %mul3A_446, %scan3A_445 : i32
        %get3A_448 = arith.constant 3 : i32
        %get3A_449 = arith.index_cast %get3A_448 : i32 to index
        %get3A_450 = arith.index_cast %mul3A_447 : i32 to index
        %get3A_451 = arith.constant 0 : index
        %get3A_452 = tpu.vector_load %arg6[%get3A_449, %get3A_450, %get3A_451] {strides = array<i32>} : memref<4x200x64xf32, #tpu.memory_space<vmem>>, vector<1x1x16xf32>,
        %get3A_453 = vector.shape_cast %get3A_452 : vector<1x1x16xf32> to vector<16xf32>
        %add3A_454 = arith.addf %add3A_372, %get3A_453 : vector<16xf32>
        %mul3A_455 = arith.constant 2 : i32
        %mul3A_456 = arith.muli %mul3A_455, %scan3A_445 : i32
        %get3A_457 = arith.constant 3 : i32
        %get3A_458 = arith.index_cast %get3A_457 : i32 to index
        %get3A_459 = arith.index_cast %mul3A_456 : i32 to index
        %get3A_460 = arith.constant 16 : index
        %get3A_461 = tpu.vector_load %arg6[%get3A_458, %get3A_459, %get3A_460] {strides = array<i32>} : memref<4x200x64xf32, #tpu.memory_space<vmem>>, vector<1x1x16xf32>,
        %get3A_462 = vector.shape_cast %get3A_461 : vector<1x1x16xf32> to vector<16xf32>
        %add3A_463 = arith.addf %add3A_381, %get3A_462 : vector<16xf32>
        %mul3A_464 = arith.constant 2 : i32
        %mul3A_465 = arith.muli %mul3A_464, %scan3A_445 : i32
        %get3A_466 = arith.constant 3 : i32
        %get3A_467 = arith.index_cast %get3A_466 : i32 to index
        %get3A_468 = arith.index_cast %mul3A_465 : i32 to index
        %get3A_469 = arith.constant 32 : index
        %get3A_470 = tpu.vector_load %arg6[%get3A_467, %get3A_468, %get3A_469] {strides = array<i32>} : memref<4x200x64xf32, #tpu.memory_space<vmem>>, vector<1x1x16xf32>,
        %get3A_471 = vector.shape_cast %get3A_470 : vector<1x1x16xf32> to vector<16xf32>
        %add3A_472 = arith.addf %add3A_390, %get3A_471 : vector<16xf32>
        %mul3A_473 = arith.constant 2 : i32
        %mul3A_474 = arith.muli %mul3A_473, %scan3A_445 : i32
        %get3A_475 = arith.constant 3 : i32
        %get3A_476 = arith.index_cast %get3A_475 : i32 to index
        %get3A_477 = arith.index_cast %mul3A_474 : i32 to index
        %get3A_478 = arith.constant 48 : index
        %get3A_479 = tpu.vector_load %arg6[%get3A_476, %get3A_477, %get3A_478] {strides = array<i32>} : memref<4x200x64xf32, #tpu.memory_space<vmem>>, vector<1x1x16xf32>,
        %get3A_480 = vector.shape_cast %get3A_479 : vector<1x1x16xf32> to vector<16xf32>
        %add3A_481 = arith.addf %add3A_399, %get3A_480 : vector<16xf32>
        %mul3A_482 = arith.constant 2 : i32
        %mul3A_483 = arith.muli %mul3A_482, %scan3A_445 : i32
        %add3A_484 = arith.constant 1 : i32
        %add3A_485 = arith.addi %mul3A_483, %add3A_484 : i32
        %get3A_486 = arith.constant 3 : i32
        %get3A_487 = arith.index_cast %get3A_486 : i32 to index
        %get3A_488 = arith.index_cast %add3A_485 : i32 to index
        %get3A_489 = arith.constant 0 : index
        %get3A_490 = tpu.vector_load %arg6[%get3A_487, %get3A_488, %get3A_489] {strides = array<i32>} : memref<4x200x64xf32, #tpu.memory_space<vmem>>, vector<1x1x16xf32>,
        %get3A_491 = vector.shape_cast %get3A_490 : vector<1x1x16xf32> to vector<16xf32>
        %add3A_492 = arith.addf %add3A_410, %get3A_491 : vector<16xf32>
        %mul3A_493 = arith.constant 2 : i32
        %mul3A_494 = arith.muli %mul3A_493, %scan3A_445 : i32
        %add3A_495 = arith.constant 1 : i32
        %add3A_496 = arith.addi %mul3A_494, %add3A_495 : i32
        %get3A_497 = arith.constant 3 : i32
        %get3A_498 = arith.index_cast %get3A_497 : i32 to index
        %get3A_499 = arith.index_cast %add3A_496 : i32 to index
        %get3A_500 = arith.constant 16 : index
        %get3A_501 = tpu.vector_load %arg6[%get3A_498, %get3A_499, %get3A_500] {strides = array<i32>} : memref<4x200x64xf32, #tpu.memory_space<vmem>>, vector<1x1x16xf32>,
        %get3A_502 = vector.shape_cast %get3A_501 : vector<1x1x16xf32> to vector<16xf32>
        %add3A_503 = arith.addf %add3A_421, %get3A_502 : vector<16xf32>
        %mul3A_504 = arith.constant 2 : i32
        %mul3A_505 = arith.muli %mul3A_504, %scan3A_445 : i32
        %add3A_506 = arith.constant 1 : i32
        %add3A_507 = arith.addi %mul3A_505, %add3A_506 : i32
        %get3A_508 = arith.constant 3 : i32
        %get3A_509 = arith.index_cast %get3A_508 : i32 to index
        %get3A_510 = arith.index_cast %add3A_507 : i32 to index
        %get3A_511 = arith.constant 32 : index
        %get3A_512 = tpu.vector_load %arg6[%get3A_509, %get3A_510, %get3A_511] {strides = array<i32>} : memref<4x200x64xf32, #tpu.memory_space<vmem>>, vector<1x1x16xf32>,
        %get3A_513 = vector.shape_cast %get3A_512 : vector<1x1x16xf32> to vector<16xf32>
        %add3A_514 = arith.addf %add3A_432, %get3A_513 : vector<16xf32>
        %mul3A_515 = arith.constant 2 : i32
        %mul3A_516 = arith.muli %mul3A_515, %scan3A_445 : i32
        %add3A_517 = arith.constant 1 : i32
        %add3A_518 = arith.addi %mul3A_516, %add3A_517 : i32
        %get3A_519 = arith.constant 3 : i32
        %get3A_520 = arith.index_cast %get3A_519 : i32 to index
        %get3A_521 = arith.index_cast %add3A_518 : i32 to index
        %get3A_522 = arith.constant 48 : index
        %get3A_523 = tpu.vector_load %arg6[%get3A_520, %get3A_521, %get3A_522] {strides = array<i32>} : memref<4x200x64xf32, #tpu.memory_space<vmem>>, vector<1x1x16xf32>,
        %get3A_524 = vector.shape_cast %get3A_523 : vector<1x1x16xf32> to vector<16xf32>
        %add3A_525 = arith.addf %add3A_443, %get3A_524 : vector<16xf32>
        scf.yield %add3A_454, %add3A_463, %add3A_472, %add3A_481, %add3A_492, %add3A_503, %add3A_514, %add3A_525 : vector<16xf32>, vector<16xf32>, vector<16xf32>, vector<16xf32>, vector<16xf32>, vector<16xf32>, vector<16xf32>, vector<16xf32>
      }
      %scan3A_317 = arith.constant 100 : i32
      %add3A_318 = arith.addf %scan3A_316#0, %scan3A_316#4 : vector<16xf32>
      %mul3A_319 = vector.broadcast %scan3A : f32 to vector<16xf32>
      %mul3A_320 = arith.mulf %add3A_318, %mul3A_319 : vector<16xf32>
      %swap3A_321 = arith.index_cast %add3A_283 : i32 to index
      %swap3A_322 = arith.constant 0 : index
      %swap3A_323 = tpu.vector_load %arg7[%swap3A_321, %swap3A_322] {strides = array<i32>} : memref<128x64xf32, #tpu.memory_space<vmem>>, vector<1x16xf32>,
      %swap3A_324 = vector.shape_cast %swap3A_323 : vector<1x16xf32> to vector<16xf32>
      %swap3A_325 = vector.shape_cast %mul3A_320 : vector<16xf32> to vector<1x16xf32>
      tpu.vector_store %arg7[%swap3A_321, %swap3A_322], %swap3A_325 {strides = array<i32>} : memref<128x64xf32, #tpu.memory_space<vmem>>, vector<1x16xf32>,
      %add3A_326 = arith.addf %scan3A_316#1, %scan3A_316#5 : vector<16xf32>
      %mul3A_327 = vector.broadcast %scan3A : f32 to vector<16xf32>
      %mul3A_328 = arith.mulf %add3A_326, %mul3A_327 : vector<16xf32>
      %swap3A_329 = arith.index_cast %add3A_283 : i32 to index
      %swap3A_330 = arith.constant 16 : index
      %swap3A_331 = tpu.vector_load %arg7[%swap3A_329, %swap3A_330] {strides = array<i32>} : memref<128x64xf32, #tpu.memory_space<vmem>>, vector<1x16xf32>,
      %swap3A_332 = vector.shape_cast %swap3A_331 : vector<1x16xf32> to vector<16xf32>
      %swap3A_333 = vector.shape_cast %mul3A_328 : vector<16xf32> to vector<1x16xf32>
      tpu.vector_store %arg7[%swap3A_329, %swap3A_330], %swap3A_333 {strides = array<i32>} : memref<128x64xf32, #tpu.memory_space<vmem>>, vector<1x16xf32>,
      %add3A_334 = arith.addf %scan3A_316#2, %scan3A_316#6 : vector<16xf32>
      %mul3A_335 = vector.broadcast %scan3A : f32 to vector<16xf32>
      %mul3A_336 = arith.mulf %add3A_334, %mul3A_335 : vector<16xf32>
      %swap3A_337 = arith.index_cast %add3A_283 : i32 to index
      %swap3A_338 = arith.constant 32 : index
      %swap3A_339 = tpu.vector_load %arg7[%swap3A_337, %swap3A_338] {strides = array<i32>} : memref<128x64xf32, #tpu.memory_space<vmem>>, vector<1x16xf32>,
      %swap3A_340 = vector.shape_cast %swap3A_339 : vector<1x16xf32> to vector<16xf32>
      %swap3A_341 = vector.shape_cast %mul3A_336 : vector<16xf32> to vector<1x16xf32>
      tpu.vector_store %arg7[%swap3A_337, %swap3A_338], %swap3A_341 {strides = array<i32>} : memref<128x64xf32, #tpu.memory_space<vmem>>, vector<1x16xf32>,
      %add3A_342 = arith.addf %scan3A_316#3, %scan3A_316#7 : vector<16xf32>
      %mul3A_343 = vector.broadcast %scan3A : f32 to vector<16xf32>
      %mul3A_344 = arith.mulf %add3A_342, %mul3A_343 : vector<16xf32>
      %swap3A_345 = arith.index_cast %add3A_283 : i32 to index
      %swap3A_346 = arith.constant 48 : index
      %swap3A_347 = tpu.vector_load %arg7[%swap3A_345, %swap3A_346] {strides = array<i32>} : memref<128x64xf32, #tpu.memory_space<vmem>>, vector<1x16xf32>,
      %swap3A_348 = vector.shape_cast %swap3A_347 : vector<1x16xf32> to vector<16xf32>
      %swap3A_349 = vector.shape_cast %mul3A_344 : vector<16xf32> to vector<1x16xf32>
      tpu.vector_store %arg7[%swap3A_345, %swap3A_346], %swap3A_349 {strides = array<i32>} : memref<128x64xf32, #tpu.memory_space<vmem>>, vector<1x16xf32>,
      %lt3A_350 = arith.constant 124 : i32
      %lt3A_351 = arith.cmpi slt, %add3A_283, %lt3A_350 : i32
      %convert_element_type3A_352 = arith.extui %lt3A_351 : i1 to i32
      %cond3A_353 = arith.constant 0 : i32
      %cond3A_354 = arith.cmpi ne, %convert_element_type3A_352, %cond3A_353 : i32
      scf.if %cond3A_354 {
        %add3A_356 = arith.constant 4 : i32
        %add3A_357 = arith.addi %add3A_283, %add3A_356 : i32
        %dma_start3A_358 = arith.constant 3 : i32
        %dma_start3A_359 = arith.constant 0 : i32
        %dma_start3A_360 = arith.constant 0 : i32
        %dma_start3A_361 = tpu.memref_slice %arg6[%dma_start3A_358, %dma_start3A_359, %dma_start3A_360] : memref<4x200x64xf32, #tpu.memory_space<vmem>> -> memref<1x200x64xf32, #tpu.memory_space<vmem>>
        %dma_start3A_362 = tpu.memref_squeeze %dma_start3A_361 : memref<1x200x64xf32, #tpu.memory_space<vmem>> -> memref<200x64xf32, #tpu.memory_space<vmem>>
        %dma_start3A_363 = arith.constant 0 : i32
        %dma_start3A_364 = tpu.memref_slice %arg5[%add3A_357, %dma_start3A_363] : memref<128x200xi32, #tpu.memory_space<vmem>> -> memref<1x200xi32, #tpu.memory_space<vmem>>
        %dma_start3A_365 = tpu.memref_squeeze %dma_start3A_364 : memref<1x200xi32, #tpu.memory_space<vmem>> -> memref<200xi32, #tpu.memory_space<vmem>>
        %dma_start3A_366 = arith.constant 0 : i32
        %dma_start3A_367 = arith.constant 0 : i32
        %dma_start3A_368 = tpu.memref_slice %arg3[%dma_start3A_366, %dma_start3A_367] : memref<1000000x64xf32, #tpu.memory_space<hbm>> -> memref<1000000x64xf32, #tpu.memory_space<hbm>>
        tpu.enqueue_indirect_dma source(%dma_start3A_368 : memref<1000000x64xf32, #tpu.memory_space<hbm>>) target(%dma_start3A_362 : memref<200x64xf32, #tpu.memory_space<vmem>>) offsets(%dma_start3A_365 : memref<200xi32, #tpu.memory_space<vmem>>) semaphore(%arg11 : memref<!tpu.dma_semaphore, #tpu.memory_space<semaphore_mem>>)
      } else {
      }
      %scan3A_355 = arith.constant 0 : i32
      scf.yield %scan3A_355 : i32
    }
    %scan3A_56 = arith.constant 32 : i32
    %mul3A_57 = arith.constant 128 : i32
    %mul3A_58 = arith.muli %add3A, %mul3A_57 : i32
    "tpu.region"() ({
      %run_scoped3A = tpu.sem_alloc : memref<!tpu.dma_semaphore, #tpu.memory_space<semaphore_mem>>
      %dma_start3A_59 = arith.constant 0 : i32
      %dma_start3A_60 = tpu.memref_slice %arg4[%mul3A_58, %dma_start3A_59] : memref<4096x64xf32, #tpu.memory_space<hbm>> -> memref<128x64xf32, #tpu.memory_space<hbm>>
      %dma_start3A_61 = arith.constant 0 : i32
      %dma_start3A_62 = tpu.memref_slice %arg4[%mul3A_58, %dma_start3A_61] : memref<4096x64xf32, #tpu.memory_space<hbm>> -> memref<128x64xf32, #tpu.memory_space<hbm>>
      tpu.enqueue_dma source(%arg7 : memref<128x64xf32, #tpu.memory_space<vmem>>) target(%dma_start3A_62 : memref<128x64xf32, #tpu.memory_space<hbm>>) target_semaphore(%run_scoped3A : memref<!tpu.dma_semaphore, #tpu.memory_space<semaphore_mem>>)
      %dma_wait3A = arith.constant 0 : i32
      %dma_wait3A_63 = tpu.memref_slice %arg4[%mul3A_58, %dma_wait3A] : memref<4096x64xf32, #tpu.memory_space<hbm>> -> memref<128x64xf32, #tpu.memory_space<hbm>>
      %dma_wait3A_64 = arith.constant 0 : i32
      %dma_wait3A_65 = tpu.memref_slice %arg4[%mul3A_58, %dma_wait3A_64] : memref<4096x64xf32, #tpu.memory_space<hbm>> -> memref<128x64xf32, #tpu.memory_space<hbm>>
      tpu.wait_dma2 semaphore(%run_scoped3A : memref<!tpu.dma_semaphore, #tpu.memory_space<semaphore_mem>>) src(%arg7 : memref<128x64xf32, #tpu.memory_space<vmem>>) dst(%dma_wait3A_65 : memref<128x64xf32, #tpu.memory_space<hbm>>)
      tpu.yield
    }) : () -> ()
    return
  }
}

</mosaic_0001>

<sc_bundles>
// kernel: kernel.3.cloned.1.call-start
scs
__scs_entry_jumppad:
0x0: {  	(pc) =	sbr.rel $0x88, $3  }
0x1: {  	(tag) =	ssettag $0x0;
	lr =	simm.s32 $0x1  }
0x2: {  	[smem:$0x3F9F] =	sst lr;
	_ =	strace $0xD0000000  }
0x3: {  	_ = 	snop  }
0x4: {  	_ = 	snop  }
0x5: {  	_ = 	snop  }
0x6: {  	_ = 	snop  }
0x7: {  	_ = 	snop  }
__scs_overlays_trampoline_lowered:
0x8: {  	[smem:$0x3FAE] =	sst s0  }
0x9: {  	[smem:$0x3FAF] =	sst s1  }
0xa: {  	[smem:$0x3FB0] =	sst s2  }
0xb: {  	[smem:$0x3FB1] =	sst s3  }
0xc: {  	[smem:$0x3FB2] =	sst s4  }
0xd: {  	[smem:$0x3FB3] =	sst s5  }
0xe: {  	[smem:$0x3FB4] =	sst s6  }
0xf: {  	[smem:$0x3FB5] =	sst s7  }
0x10: {  	[smem:$0x3FB6] =	sst s8  }
0x11: {  	[smem:$0x3FB7] =	sst s9;
	s0 =	simm.s32 @!p0 $0x0  }
0x12: {  	s1 =	sld [smem:$0x3F9D];
	s0 =	simm.s32 @p0 $0x1  }
0x13: {  	[smem:$0x3FB8] =	sst s0;
	s0 =	simm.s32 @!p1 $0x0  }
0x14: {  	s2 =	sld [smem:$0x3F9C];
	s0 =	simm.s32 @p1 $0x1  }
0x15: {  	[smem:$0x3FB9] =	sst s0;
	s0 =	simm.s32 @!p2 $0x0  }
0x16: {  	s3 =	sld [smem:$0x3FDB];
	s0 =	simm.s32 @p2 $0x1  }
0x17: {  	s4 =	simm.s32 $0x1BF5;
	[smem:$0x3FBB] =	sst s0  }
0x18: {  	s0 =	sld [smem:$0x3F9E];
	_ =	swait.ge [sflag:s4], $0x0  }
0x19: {  	s7 =	sld [smem:$0x3F9F]  }
0x1a: {  	s8 =	sadd.s32 $0xFFFFE003, lr  }
0x1b: {  	s9 =	sadd.s32 $0xFFFFFEF7, lr;
	s5 =	simm.s32 $0xFFFFFFFF;
	p2 =	slt.u32 s8, $0xFFFFF086  }
0x1c: {  	p1 =	slt.u32 s9, $0xF7A;
	s5 =	simm.s32 @!p2 $0x0  }
0x1d: {  	s5 =	simm.s32 @p1 $0x1;
	p0 =	seq.s32 s7, s2  }
0x1e: {  	s7 =	smul.u32 @!p0 $0xF7A, s2;
	p2 =	seq.s32 @!p0 s5, $0x0  }
0x1f: {  	s9 =	smul.u32 $0xF7A, s1;
	s8 =	simm.s32 @!p0 $0x1BF5;
	p2 =	por !p2, p0  }
0x20: {  	[sflag:s8] =	ssyncset.s32 @!p0 $0xFFFFF086;
	s6 =	sadd.s32 @!p0 s3, s7;
	s7 =	simm.s32 @!p0 $0x108  }
0x21: {  	s3 =	sadd.s32 s3, s9;
	s6 =	sadd.s32 @!p0 $0x88, s6;
	s7 =	simm.s32 @p2 $0x1082  }
0x22: {  	[simem:s7], [sflag:s8] =	dma.local @!p0 [hbm:s6], $0xF7A  }
0x23: {  	s9 =	sor.u32 $0xD0000000, s2;
	s6 =	simm.s32 $0x108;
	_ =	swait.ge @!p0 [sflag:s8], $0x0  }
0x24: {  	s3 =	sadd.s32 $0x88, s3;
	s6 =	simm.s32 @!p1 $0x1082;
	[sflag:s4] =	ssyncset.s32 $0xFFFFF086  }
0x25: {  	[simem:s6], [sflag:s4] =	dma.local [hbm:s3], $0xF7A  }
0x26: {  	[smem:$0x3F9F] =	sst s1;
	(tag) =	ssettag s2;
	_ =	strace s9  }
0x27: {  	s1 =	sld [smem:$0x3FAF]  }
0x28: {  	s2 =	sld [smem:$0x3FB0]  }
0x29: {  	s4 =	sld [smem:$0x3FB2]  }
0x2a: {  	p0 =	seq.s32 s5, $0x0;
	s5 =	sld [smem:$0x3FB3]  }
0x2b: {  	s6 =	sld [smem:$0x3FB4]  }
0x2c: {  	s7 =	sld [smem:$0x3FB5]  }
0x2d: {  	s3 =	simm.s32 $0x108;
	s8 =	sld [smem:$0x3FB6]  }
0x2e: {  	s3 =	simm.s32 @!p0 $0x1082;
	s9 =	sld [smem:$0x3FB7]  }
0x2f: {  	lr =	sadd.s32 s0, s3;
	s0 =	sld [smem:$0x3FAE]  }
0x30: {  	s3 =	sld [smem:$0x3FB1]  }
0x31: {  	[smem:$0x3FBA] =	sst s10  }
0x32: {  	s10 =	sld [smem:$0x3FB8];
	_ =	sdelay $0x3  }
0x33: {  	p0 =	seq.s32 s10, $0x1;
	s10 =	sld [smem:$0x3FBA];
	_ =	sdelay $0x3  }
0x34: {  	[smem:$0x3FBA] =	sst s10  }
0x35: {  	s10 =	sld [smem:$0x3FB9];
	_ =	sdelay $0x3  }
0x36: {  	p1 =	seq.s32 s10, $0x1;
	s10 =	sld [smem:$0x3FBA];
	_ =	sdelay $0x3  }
0x37: {  	[smem:$0x3FBA] =	sst s10  }
0x38: {  	s10 =	sld [smem:$0x3FBB]  }
0x39: {  	_ = 	snop;
	(pc) =	sbr.ind lr, $3  }
0x3a: {  	_ = 	snop  }
0x3b: {  	_ = 	snop  }
0x3c: {  	p2 =	seq.s32 s10, $0x1;
	s10 =	sld [smem:$0x3FBA]  }
0x3d: {  	_ =	shalt  }
0x3e: {  	_ =	shalt  }
0x3f: {  	_ =	shalt  }
0x40: {  	_ =	shalt  }
0x41: {  	_ =	shalt  }
0x42: {  	_ =	shalt  }
0x43: {  	_ =	shalt  }
0x44: {  	_ =	shalt  }
0x45: {  	_ =	shalt  }
0x46: {  	_ =	shalt  }
0x47: {  	_ =	shalt  }
0x48: {  	_ =	shalt  }
0x49: {  	_ =	shalt  }
0x4a: {  	_ =	shalt  }
0x4b: {  	_ =	shalt  }
0x4c: {  	_ =	shalt  }
0x4d: {  	_ =	shalt  }
0x4e: {  	_ =	shalt  }
0x4f: {  	_ =	shalt  }
0x50: {  	_ =	shalt  }
0x51: {  	_ =	shalt  }
0x52: {  	_ =	shalt  }
0x53: {  	_ =	shalt  }
0x54: {  	_ =	shalt  }
0x55: {  	_ =	shalt  }
0x56: {  	_ =	shalt  }
0x57: {  	_ =	shalt  }
0x58: {  	_ =	shalt  }
0x59: {  	_ =	shalt  }
0x5a: {  	_ =	shalt  }
0x5b: {  	_ =	shalt  }
0x5c: {  	_ =	shalt  }
0x5d: {  	_ =	shalt  }
0x5e: {  	_ =	shalt  }
0x5f: {  	_ =	shalt  }
0x60: {  	_ =	shalt  }
0x61: {  	_ =	shalt  }
0x62: {  	_ =	shalt  }
0x63: {  	_ =	shalt  }
0x64: {  	_ =	shalt  }
0x65: {  	_ =	shalt  }
0x66: {  	_ =	shalt  }
0x67: {  	_ =	shalt  }
0x68: {  	_ =	shalt  }
0x69: {  	_ =	shalt  }
0x6a: {  	_ =	shalt  }
0x6b: {  	_ =	shalt  }
0x6c: {  	_ =	shalt  }
0x6d: {  	_ =	shalt  }
0x6e: {  	_ =	shalt  }
0x6f: {  	_ =	shalt  }
0x70: {  	_ =	shalt  }
0x71: {  	_ =	shalt  }
0x72: {  	_ =	shalt  }
0x73: {  	_ =	shalt  }
0x74: {  	_ =	shalt  }
0x75: {  	_ =	shalt  }
0x76: {  	_ =	shalt  }
0x77: {  	_ =	shalt  }
0x78: {  	_ =	shalt  }
0x79: {  	_ =	shalt  }
0x7a: {  	_ =	shalt  }
0x7b: {  	_ =	shalt  }
0x7c: {  	_ =	shalt  }
0x7d: {  	_ =	shalt  }
0x7e: {  	_ =	shalt  }
0x7f: {  	_ =	shalt  }
0x80: {  	_ =	shalt  }
0x81: {  	_ =	shalt  }
0x82: {  	_ =	shalt  }
0x83: {  	_ =	shalt  }
0x84: {  	_ =	shalt  }
0x85: {  	_ =	shalt  }
0x86: {  	_ =	shalt  }
0x87: {  	_ =	shalt  }
.Lfunc_end0:
.L_simem_size_0:
called_computation_lowered:
.L_overlay_start_0:
0x88: {  	s2 =	sld [smem:$0x3FD9]  }
0x89: {  	s3 =	sld [smem:$0x3FFE];
	_ =	sdelay $0x1  }
0x8a: {  	s1 =	srdreg.scid  }
0x8b: {  	s0 =	sand.u32 $0x1, s1  }
0x8c: {  	s17 =	sshll.u32 s0, $0xA;
	s2 =	sadd.s32 s3, s2  }
0x8d: {  	s2 =	sadd.s32 s2, s17  }
0x8e: {  	[smem:$0x3FC6] =	sst s2  }
0x8f: {  	_ = 	snop  }
0x90: {  	s2 =	sld [smem:$0x3FD0];
	(tm) =	ssettm $0x1  }
0x91: {  	s18 =	sld [smem:$0x3FFB];
	_ =	sdelay $0x3  }
0x92: {  	_ =	strace s18  }
0x93: {  	s3 =	sld [smem:$0x3FFC];
	_ =	sdelay $0x3  }
0x94: {  	_ =	strace s3  }
0x95: {  	s3 =	sld [smem:$0x3FFD];
	_ =	sdelay $0x3  }
0x96: {  	_ =	strace s3  }
0x97: {  	_ =	strace $0x8FFFFFFF  }
0x98: {  	s19 =	sld [smem:$0x3FDB];
	_ =	sdelay $0x1  }
0x99: {  	s4 =	simm.s32 $_scs_section_size  }
0x9a: {  	s5 =	simm.s32 $_size__tile_overlayer_lowered;
	s6 =	simm.s32 $_tile_overlayer_lowered  }
0x9b: {  	s22 =	simm.s32 $0x1BFF;
	s21 =	sshll.u32 s6, $0x1;
	s3 =	sadd.s32 s4, s19  }
0x9c: {  	s7 =	simm.s32 $0x0;
	s20 =	sshll.u32 s5, $0x1;
	s5 =	sadd.s32 s21, s3  }
0x9d: {  	[timem:s7], [sflag:s22] =	dma.local [hbm:s5], s20  }
0x9e: {  	_ =	swait.ge [sflag:s22], s20  }
0x9f: {  	s4 =	ssub.s32 $0x0, s20;
	[sflag:s22] =	ssyncset.done $0x0  }
0xa0: {  	[sflag:s22] =	ssyncadd.s32 s4;
	_ =	sdelay $0x1  }
0xa1: {  	s23 =	simm.s32 $0x1B8B  }
0xa2: {  	_ =	swait.ge [sflag:s23], $0x1  }
0xa3: {  	[sflag:s23] =	ssyncset.done $0x0  }
0xa4: {  	s25 =	simm.s32 $0x1B8E;
	s24 =	sld [smem:$0x3FFE];
	[sflag:s23] =	ssyncadd.s32 $0xFFFFFFFF  }
0xa5: {  	s26 =	simm.s32 $execute0_lowered;
	[smem:$0x3FD2] =	sst s25  }
0xa6: {  	s5 =	sshll.u32 s26, $0x1;
	_ =	strace $0x80000046;
	[dreg:$0x1] =	wrdreg $0xFFFFFFFF  }
0xa7: {  	s28 =	simm.s32 $_size_execute0_lowered;
	s3 =	sadd.s32 s3, s5;
	[dreg:$0x0] =	wrdreg $0x0  }
0xa8: {  	s5 =	sshll.u32 s28, $0x1;
	[dreg:$0x2] =	wrdreg s3  }
0xa9: {  	[dreg:$0x3] =	wrdreg s5  }
0xaa: {  	[dreg:$0x4] =	wrdreg $0xC0  }
0xab: {  	_ =	task [dreg:s7], $0x5FFFF  }
0xac: {  	[dreg:$0x1] =	wrdreg $0xFFFFFFFF  }
0xad: {  	[dreg:$0x0] =	wrdreg $0x60  }
0xae: {  	[dreg:$0x2] =	wrdreg s24  }
0xaf: {  	[dreg:$0x3] =	wrdreg s2  }
0xb0: {  	[dreg:$0x4] =	wrdreg $0x9  }
0xb1: {  	_ =	task.clear_ibuf [dreg:s7], $0x5FFFF;
	_ =	strace $0x90000046  }
0xb2: {  	s29 =	simm.s32 $0x9;
	_ =	strace $0x80000048  }
0xb3: {  	_ =	swait.ge [sflag:s29], $0x1  }
0xb4: {  	[sflag:s29] =	ssyncadd.s32 $0xFFFFFFFF  }
0xb5: {  	_ =	strace $0x90000048  }
0xb6: {  	_ =	sfence  }
0xb7: {  	s30 =	sld [smem:$0x0];
	_ =	sdelay $0x2  }
0xb8: {  	s31 =	sshll.u32 s1, $0xD;
	s1 =	sshrl.u32 s1, $0x2  }
0xb9: {  	s3 =	sand.u32 $0x4000, s31;
	s1 =	sadd.s32 s1, s30  }
0xba: {  	s0 =	sor.u32 s3, s0;
	s1 =	sshll.u32 s1, $0x11  }
0xbb: {  	s0 =	sor.u32 s1, s0  }
0xbc: {  	s0 =	sadd.s32 $0x8F2B, s0  }
0xbd: {  	[sflag:s0] =	ssyncadd.remote.s32 $0x1  }
0xbe: {  	_ =	sfence.sel $0xFFFF  }
0xbf: {  	[dreg:$0x0] =	wrdreg $0xFFFFFFFF;
	(pc) =	sbr.abs _section_cstart, $3  }
0xc0: {  	[dreg:$0x1] =	wrdreg $0xFFFFFFFF  }
0xc1: {  	_ =	task.clear_ibuf [dreg:s7], $0x2FFFF;
	_ =	strace $0x9FFFFFFF  }
0xc2: {  	(tm) =	ssettm $0x7FFFFFFF  }
0xc3: {  	_ =	shalt  }
tec
execute0_lowered:
.L_overlay_start_1:
0x0: {  	(tag) =	ssettag $0x1  }
0x1: {  	s1 =	srdreg.scid;
	s4 =	rddreg [dreg:$0x0]  }
0x2: {  	s0 =	stileid.u32;
	s5 =	rddreg [dreg:$0x1]  }
0x3: {  	s9 =	simm.s32 $0x6400;
	s10 =	simm.s32 $0x9600;
	s11 =	simm.s32 $0x190  }
0x4: {  	s12 =	simm.s32 $0xC800;
	s13 =	simm.s32 $0x258;
	s14 =	simm.s32 $0xFA00  }
0x5: {  	s15 =	simm.s32 $0x1;
	s16 =	simm.s32 $0x2;
	s17 =	simm.s32 $0x3  }
0x6: {  	s18 =	simm.s32 $0x4;
	s19 =	simm.s32 $0x12C00;
	s20 =	simm.s32 $0x0  }
0x7: {  	s3 =	sand.u32 $0x1, s1;
	s30 =	sshll.u32 s0, $0x8;
	s1 =	rddreg [dreg:$0x2]  }
0x8: {  	s2 =	sshll.u32 s3, $0x7;
	s8 =	ssub.s32 $0x2, s3;
	s3 =	sadd.s32 $0xF42A00, s4  }
.Ltmp0:
0x9: {  	s6 =	sor.u32 s2, s30;
	s2 =	simm.s32 $0x0;
	(pc) =	sbr.rel .LBB2_1-.Ltmp0, $4  }
0xa: {  	s31 =	sshrl.u32 s8, $0x1;
	s7 =	smul.u32 $0x19, s6;
	[smem:$0x7FF] =	sst s2  }
0xb: {  	s6 =	sshll.u32 s6, $0x3;
	s8 =	ssub.s32 s8, s31;
	_ =	strace $0x80000047  }
0xc: {  	s5 =	sadd.s32 s5, s6;
	s6 =	smax.u32 s8, $0x1;
	s7 =	sadd.s32 s7, s4  }
0xd: {  	s8 =	simm.s32 $0xC8;
	s4 =	sadd.s32 $0x600, s7;
	s7 =	simm.s32 $0x5  }
.LBB2_12:
0xe: {  	s20 =	sadd.s32 $0x1, s20  }
0xf: {  	p0 =	sne.s32 s20, s6  }
.Ltmp1:
0x10: {  	_ = 	snop;
	(pc) =	sbr.rel @!p0 .LBB2_13-.Ltmp1, $4  }
0x11: {  	[hbm4b:s5+s2] =	stream.linear.scatter [tilespmem:s19], [sflag:$0x5], $0x2000, $0x38;
	[tilespmem:$0x14C00] =	vst v63  }
0x12: {  	_ =	swait.ge [sflag:s7], $0x2000  }
0x13: {  	[sflag:s7] =	ssyncset.done $0x0  }
0x14: {  	[sflag:s7] =	ssyncadd.s32 $0xFFFFE000  }
.LBB2_1:
0x15: {  	[tilespmem:s2], [sflag:$0x5] =	stream.linear.gather [hbm4b:s4+s2], $0x6400, $0x38;
	[tilespmem:$0x14C00] =	vst v63  }
0x16: {  	_ =	swait.ge [sflag:s7], $0x6400  }
0x17: {  	[sflag:s7] =	ssyncset.done $0x0  }
0x18: {  	[sflag:s7] =	ssyncadd.s32 $0xFFFF9C00  }
0x19: {  	[tilespmem:s9], [sflag:$0x1] =	stream.indirect.gather [hbm4b:s3+s8], $0x40, s2, s8, $0xb8;
	[tilespmem:$0x14C00] =	vst v63  }
0x1a: {  	_ = 	snop  }
0x1b: {  	[tilespmem:s10], [sflag:$0x2] =	stream.indirect.gather [hbm4b:s3+s8], $0x40, s8, s8, $0xb8;
	[tilespmem:$0x14C00] =	vst v63  }
0x1c: {  	_ = 	snop  }
0x1d: {  	[tilespmem:s12], [sflag:$0x3] =	stream.indirect.gather [hbm4b:s3+s8], $0x40, s11, s8, $0xb8;
	[tilespmem:$0x14C00] =	vst v63  }
0x1e: {  	s21 =	simm.s32 $0x0  }
0x1f: {  	[tilespmem:s14], [sflag:$0x4] =	stream.indirect.gather [hbm4b:s3+s8], $0x40, s13, s8, $0xb8;
	[tilespmem:$0x14C00] =	vst v63  }
.LBB2_2:
0x20: {  	_ =	swait.ge [sflag:s15], $0x3200  }
0x21: {  	[sflag:s15] =	ssyncset.done $0x0  }
0x22: {  	s23 =	simm.s32 $0x6480;
	[sflag:s15] =	ssyncadd.s32 $0xFFFFCE00  }
0x23: {  	v5 =	vld [tilespmem:s23+$0x0]  }
0x24: {  	v7 =	vld [tilespmem:s23+$0x10]  }
0x25: {  	v2 =	vld [tilespmem:s23+$0x20]  }
0x26: {  	v3 =	vld [tilespmem:s23+$0x30]  }
0x27: {  	v0 =	vld [tilespmem:s23+$0x40]  }
0x28: {  	v6 =	vld [tilespmem:s23+$0xFFFFFF80]  }
0x29: {  	v8 =	vld [tilespmem:s23+$0xFFFFFF90]  }
0x2a: {  	v9 =	vld [tilespmem:s23+$0xFFFFFFA0]  }
0x2b: {  	v13 =	vld [tilespmem:s23+$0xFFFFFFB0]  }
0x2c: {  	v1 =	vld [tilespmem:s23+$0x50]  }
0x2d: {  	v10 =	vld [tilespmem:s23+$0xFFFFFFC0]  }
0x2e: {  	v4 =	vimm.f32 $0.0e+00;
	v12 =	vld [tilespmem:s23+$0xFFFFFFD0]  }
0x2f: {  	v11 =	vld [tilespmem:s23+$0xFFFFFFE0];
	v6 =	vadd.f32 v6, v4  }
0x30: {  	v14 =	vld [tilespmem:s23+$0xFFFFFFF0];
	v8 =	vadd.f32 v8, v4;
	v17 =	vadd.f32 v9, v4  }
0x31: {  	v15 =	vld [tilespmem:s23+$0x70];
	v16 =	vadd.f32 v13, v4;
	v9 =	vimm.f32 $0.0e+00;
	v6 =	vadd.f32 v5, v6  }
0x32: {  	s22 =	simm.s32 $0x0;
	v13 =	vld [tilespmem:s23+$0x60];
	s23 =	simm.s32 $0x6580;
	v5 =	vadd.f32 v7, v8;
	v8 =	vimm.f32 $0.0e+00;
	v7 =	vimm.f32 $0.0e+00  }
.LBB2_3:
0x33: {  	v18 =	vld [tilespmem:s23+$0x0];
	v17 =	vadd.f32 v2, v17;
	v16 =	vadd.f32 v3, v16  }
0x34: {  	v4 =	vadd.f32 v10, v4;
	v8 =	vadd.f32 v12, v8;
	v19 =	vld [tilespmem:s23+$0x10]  }
0x35: {  	v9 =	vadd.f32 v11, v9;
	v2 =	vld [tilespmem:s23+$0x20];
	v7 =	vadd.f32 v14, v7  }
0x36: {  	v4 =	vadd.f32 v0, v4;
	v8 =	vadd.f32 v1, v8;
	v3 =	vld [tilespmem:s23+$0x30]  }
0x37: {  	v9 =	vadd.f32 v13, v9;
	v0 =	vld [tilespmem:s23+$0x40];
	v7 =	vadd.f32 v15, v7  }
0x38: {  	v1 =	vld [tilespmem:s23+$0x50]  }
0x39: {  	v13 =	vld [tilespmem:s23+$0xFFFFFF80]  }
0x3a: {  	v14 =	vld [tilespmem:s23+$0xFFFFFF90]  }
0x3b: {  	v15 =	vld [tilespmem:s23+$0xFFFFFFA0]  }
0x3c: {  	s22 =	sadd.s32 $0x2, s22;
	v20 =	vld [tilespmem:s23+$0xFFFFFFB0]  }
0x3d: {  	p0 =	slt.u32 s22, $0x62;
	v10 =	vld [tilespmem:s23+$0xFFFFFFC0]  }
.Ltmp2:
0x3e: {  	v12 =	vld [tilespmem:s23+$0xFFFFFFD0];
	(pc) =	sbr.rel @p0 .LBB2_3-.Ltmp2, $4  }
0x3f: {  	v11 =	vld [tilespmem:s23+$0xFFFFFFE0]  }
0x40: {  	v6 =	vadd.f32 v13, v6;
	v5 =	vadd.f32 v14, v5;
	v14 =	vld [tilespmem:s23+$0xFFFFFFF0]  }
0x41: {  	v17 =	vadd.f32 v15, v17;
	v16 =	vadd.f32 v20, v16;
	v13 =	vld [tilespmem:s23+$0x60]  }
0x42: {  	v6 =	vadd.f32 v18, v6;
	v5 =	vadd.f32 v19, v5;
	v15 =	vld [tilespmem:s23+$0x70];
	s23 =	sadd.s32 $0x100, s23  }
0x43: {  	v2 =	vadd.f32 v2, v17;
	v4 =	vadd.f32 v10, v4  }
0x44: {  	v3 =	vadd.f32 v3, v16;
	v8 =	vadd.f32 v12, v8  }
0x45: {  	v9 =	vadd.f32 v11, v9;
	v0 =	vadd.f32 v0, v4  }
0x46: {  	v4 =	vadd.f32 v14, v7;
	v1 =	vadd.f32 v1, v8  }
0x47: {  	v7 =	vadd.f32 v13, v9;
	v0 =	vadd.f32 v0, v6  }
0x48: {  	v4 =	vadd.f32 v15, v4;
	v1 =	vadd.f32 v1, v5  }
0x49: {  	s22 =	sshll.u32 s21, $0xA;
	v2 =	vadd.f32 v7, v2;
	v0 =	vmul.f32 $4.999999890e-03, v0  }
0x4a: {  	p0 =	seq.s32 s21, $0x1F;
	s22 =	sshra.s32 s22, $0x2;
	v1 =	vmul.f32 $4.999999890e-03, v1;
	v3 =	vadd.f32 v4, v3  }
0x4b: {  	s23 =	smul.u32 @!p0 $0xC80, s21;
	[tilespmem:s22+$0x12C00] =	vst v0;
	v0 =	vmul.f32 $4.999999890e-03, v2  }
0x4c: {  	[tilespmem:s22+$0x12C10] =	vst v1;
	v1 =	vmul.f32 $4.999999890e-03, v3  }
0x4d: {  	s23 =	sshra.s32 @!p0 s23, $0x2;
	[tilespmem:s22+$0x12C20] =	vst v0  }
0x4e: {  	s25 =	simm.s32 @!p0 $0xC8;
	s26 =	simm.s32 @!p0 $0x6400;
	s24 =	sadd.s32 @!p0 $0x320, s23;
	[tilespmem:s22+$0x12C30] =	vst v1  }
0x4f: {  	[tilespmem:s26], [sflag:$0x1] =	stream.indirect.gather @!p0 [hbm4b:s3+s25], $0x40, s24, s25, $0xb8;
	[tilespmem:$0x14C00] =	vst v63  }
0x50: {  	_ =	swait.ge [sflag:s16], $0x3200  }
0x51: {  	[sflag:s16] =	ssyncset.done $0x0  }
0x52: {  	s31 =	simm.s32 $0x96F0;
	[sflag:s16] =	ssyncadd.s32 $0xFFFFCE00  }
0x53: {  	v5 =	vld [tilespmem:s31+$0xFFFFFF90]  }
0x54: {  	v7 =	vld [tilespmem:s31+$0xFFFFFFA0]  }
0x55: {  	v2 =	vld [tilespmem:s31+$0xFFFFFFB0]  }
0x56: {  	v3 =	vld [tilespmem:s31+$0xFFFFFFC0]  }
0x57: {  	v0 =	vld [tilespmem:s31+$0xFFFFFFD0]  }
0x58: {  	v6 =	vld [tilespmem:s31+$0xFFFFFF10]  }
0x59: {  	v8 =	vld [tilespmem:s31+$0xFFFFFF20]  }
0x5a: {  	v9 =	vld [tilespmem:s31+$0xFFFFFF30]  }
0x5b: {  	v13 =	vld [tilespmem:s31+$0xFFFFFF40]  }
0x5c: {  	v1 =	vld [tilespmem:s31+$0xFFFFFFE0]  }
0x5d: {  	v10 =	vld [tilespmem:s31+$0xFFFFFF50]  }
0x5e: {  	v4 =	vimm.f32 $0.0e+00;
	v12 =	vld [tilespmem:s31+$0xFFFFFF60]  }
0x5f: {  	v11 =	vld [tilespmem:s31+$0xFFFFFF70];
	v6 =	vadd.f32 v6, v4  }
0x60: {  	v14 =	vld [tilespmem:s31+$0xFFFFFF80];
	v8 =	vadd.f32 v8, v4;
	v17 =	vadd.f32 v9, v4  }
0x61: {  	v15 =	vld [tilespmem:s31+$0x0];
	v16 =	vadd.f32 v13, v4;
	v9 =	vimm.f32 $0.0e+00;
	v6 =	vadd.f32 v5, v6  }
0x62: {  	s24 =	simm.s32 $0x0;
	s25 =	simm.s32 $0x97F0;
	v13 =	vld [tilespmem:s31+$0xFFFFFFF0];
	v5 =	vadd.f32 v7, v8;
	v8 =	vimm.f32 $0.0e+00;
	v7 =	vimm.f32 $0.0e+00  }
.LBB2_5:
0x63: {  	v18 =	vld [tilespmem:s25+$0xFFFFFF90];
	v17 =	vadd.f32 v2, v17;
	v16 =	vadd.f32 v3, v16  }
0x64: {  	v4 =	vadd.f32 v10, v4;
	v8 =	vadd.f32 v12, v8;
	v19 =	vld [tilespmem:s25+$0xFFFFFFA0]  }
0x65: {  	v9 =	vadd.f32 v11, v9;
	v2 =	vld [tilespmem:s25+$0xFFFFFFB0];
	v7 =	vadd.f32 v14, v7  }
0x66: {  	v4 =	vadd.f32 v0, v4;
	v8 =	vadd.f32 v1, v8;
	v3 =	vld [tilespmem:s25+$0xFFFFFFC0]  }
0x67: {  	v9 =	vadd.f32 v13, v9;
	v0 =	vld [tilespmem:s25+$0xFFFFFFD0];
	v7 =	vadd.f32 v15, v7  }
0x68: {  	v1 =	vld [tilespmem:s25+$0xFFFFFFE0]  }
0x69: {  	v13 =	vld [tilespmem:s25+$0xFFFFFF10]  }
0x6a: {  	v14 =	vld [tilespmem:s25+$0xFFFFFF20]  }
0x6b: {  	v15 =	vld [tilespmem:s25+$0xFFFFFF30]  }
0x6c: {  	s24 =	sadd.s32 $0x2, s24;
	v20 =	vld [tilespmem:s25+$0xFFFFFF40]  }
0x6d: {  	p1 =	slt.u32 s24, $0x62;
	v10 =	vld [tilespmem:s25+$0xFFFFFF50]  }
.Ltmp3:
0x6e: {  	v12 =	vld [tilespmem:s25+$0xFFFFFF60];
	(pc) =	sbr.rel @p1 .LBB2_5-.Ltmp3, $4  }
0x6f: {  	v11 =	vld [tilespmem:s25+$0xFFFFFF70]  }
0x70: {  	v6 =	vadd.f32 v13, v6;
	v5 =	vadd.f32 v14, v5;
	v14 =	vld [tilespmem:s25+$0xFFFFFF80]  }
0x71: {  	v17 =	vadd.f32 v15, v17;
	v16 =	vadd.f32 v20, v16;
	v13 =	vld [tilespmem:s25+$0xFFFFFFF0]  }
0x72: {  	v6 =	vadd.f32 v18, v6;
	v5 =	vadd.f32 v19, v5;
	v15 =	vld [tilespmem:s25+$0x0];
	s25 =	sadd.s32 $0x100, s25  }
0x73: {  	v2 =	vadd.f32 v2, v17;
	v4 =	vadd.f32 v10, v4  }
0x74: {  	v3 =	vadd.f32 v3, v16;
	v8 =	vadd.f32 v12, v8  }
0x75: {  	v9 =	vadd.f32 v11, v9;
	v0 =	vadd.f32 v0, v4  }
0x76: {  	v4 =	vadd.f32 v14, v7;
	v1 =	vadd.f32 v1, v8  }
0x77: {  	v7 =	vadd.f32 v13, v9;
	v0 =	vadd.f32 v0, v6  }
0x78: {  	v4 =	vadd.f32 v15, v4;
	v1 =	vadd.f32 v1, v5  }
0x79: {  	v2 =	vadd.f32 v7, v2;
	v0 =	vmul.f32 $4.999999890e-03, v0  }
0x7a: {  	v1 =	vmul.f32 $4.999999890e-03, v1;
	v3 =	vadd.f32 v4, v3  }
0x7b: {  	[tilespmem:s22+$0x12C40] =	vst v0;
	v0 =	vmul.f32 $4.999999890e-03, v2  }
0x7c: {  	[tilespmem:s22+$0x12C50] =	vst v1;
	v1 =	vmul.f32 $4.999999890e-03, v3  }
0x7d: {  	[tilespmem:s22+$0x12C60] =	vst v0  }
0x7e: {  	s24 =	sadd.s32 @!p0 $0x3E8, s23;
	s25 =	simm.s32 @!p0 $0xC8;
	s26 =	simm.s32 @!p0 $0x9600;
	[tilespmem:s22+$0x12C70] =	vst v1  }
0x7f: {  	[tilespmem:s26], [sflag:$0x2] =	stream.indirect.gather @!p0 [hbm4b:s3+s25], $0x40, s24, s25, $0xb8;
	[tilespmem:$0x14C00] =	vst v63  }
0x80: {  	_ =	swait.ge [sflag:s17], $0x3200  }
0x81: {  	[sflag:s17] =	ssyncset.done $0x0  }
0x82: {  	s31 =	simm.s32 $0xC800;
	[sflag:s17] =	ssyncadd.s32 $0xFFFFCE00  }
0x83: {  	v5 =	vld [tilespmem:s31+$0x80]  }
0x84: {  	v7 =	vld [tilespmem:s31+$0x90]  }
0x85: {  	v2 =	vld [tilespmem:s31+$0xA0]  }
0x86: {  	v3 =	vld [tilespmem:s31+$0xB0]  }
0x87: {  	v0 =	vld [tilespmem:s31+$0xC0]  }
0x88: {  	v6 =	vld [tilespmem:s31+$0x0]  }
0x89: {  	v8 =	vld [tilespmem:s31+$0x10]  }
0x8a: {  	v9 =	vld [tilespmem:s31+$0x20]  }
0x8b: {  	v13 =	vld [tilespmem:s31+$0x30]  }
0x8c: {  	v1 =	vld [tilespmem:s31+$0xD0]  }
0x8d: {  	v10 =	vld [tilespmem:s31+$0x40]  }
0x8e: {  	v4 =	vimm.f32 $0.0e+00;
	v12 =	vld [tilespmem:s31+$0x50]  }
0x8f: {  	v11 =	vld [tilespmem:s31+$0x60];
	v6 =	vadd.f32 v6, v4  }
0x90: {  	v14 =	vld [tilespmem:s31+$0x70];
	v8 =	vadd.f32 v8, v4;
	v17 =	vadd.f32 v9, v4  }
0x91: {  	v15 =	vld [tilespmem:s31+$0xF0];
	v16 =	vadd.f32 v13, v4;
	v9 =	vimm.f32 $0.0e+00;
	v6 =	vadd.f32 v5, v6  }
0x92: {  	s24 =	simm.s32 $0x0;
	s25 =	simm.s32 $0xC900;
	v13 =	vld [tilespmem:s31+$0xE0];
	v5 =	vadd.f32 v7, v8;
	v8 =	vimm.f32 $0.0e+00;
	v7 =	vimm.f32 $0.0e+00  }
.LBB2_7:
0x93: {  	v18 =	vld [tilespmem:s25+$0x80];
	v17 =	vadd.f32 v2, v17;
	v16 =	vadd.f32 v3, v16  }
0x94: {  	v4 =	vadd.f32 v10, v4;
	v8 =	vadd.f32 v12, v8;
	v19 =	vld [tilespmem:s25+$0x90]  }
0x95: {  	v9 =	vadd.f32 v11, v9;
	v2 =	vld [tilespmem:s25+$0xA0];
	v7 =	vadd.f32 v14, v7  }
0x96: {  	v4 =	vadd.f32 v0, v4;
	v8 =	vadd.f32 v1, v8;
	v3 =	vld [tilespmem:s25+$0xB0]  }
0x97: {  	v9 =	vadd.f32 v13, v9;
	v0 =	vld [tilespmem:s25+$0xC0];
	v7 =	vadd.f32 v15, v7  }
0x98: {  	v1 =	vld [tilespmem:s25+$0xD0]  }
0x99: {  	v13 =	vld [tilespmem:s25+$0x0]  }
0x9a: {  	v14 =	vld [tilespmem:s25+$0x10]  }
0x9b: {  	v15 =	vld [tilespmem:s25+$0x20]  }
0x9c: {  	s24 =	sadd.s32 $0x2, s24;
	v20 =	vld [tilespmem:s25+$0x30]  }
0x9d: {  	p1 =	slt.u32 s24, $0x62;
	v10 =	vld [tilespmem:s25+$0x40]  }
.Ltmp4:
0x9e: {  	v12 =	vld [tilespmem:s25+$0x50];
	(pc) =	sbr.rel @p1 .LBB2_7-.Ltmp4, $4  }
0x9f: {  	v11 =	vld [tilespmem:s25+$0x60]  }
0xa0: {  	v6 =	vadd.f32 v13, v6;
	v5 =	vadd.f32 v14, v5;
	v14 =	vld [tilespmem:s25+$0x70]  }
0xa1: {  	v17 =	vadd.f32 v15, v17;
	v16 =	vadd.f32 v20, v16;
	v13 =	vld [tilespmem:s25+$0xE0]  }
0xa2: {  	v6 =	vadd.f32 v18, v6;
	v5 =	vadd.f32 v19, v5;
	v15 =	vld [tilespmem:s25+$0xF0];
	s25 =	sadd.s32 $0x100, s25  }
0xa3: {  	v2 =	vadd.f32 v2, v17;
	v4 =	vadd.f32 v10, v4  }
0xa4: {  	v3 =	vadd.f32 v3, v16;
	v8 =	vadd.f32 v12, v8  }
0xa5: {  	v9 =	vadd.f32 v11, v9;
	v0 =	vadd.f32 v0, v4  }
0xa6: {  	v4 =	vadd.f32 v14, v7;
	v1 =	vadd.f32 v1, v8  }
0xa7: {  	v7 =	vadd.f32 v13, v9;
	v0 =	vadd.f32 v0, v6  }
0xa8: {  	v4 =	vadd.f32 v15, v4;
	v1 =	vadd.f32 v1, v5  }
0xa9: {  	v2 =	vadd.f32 v7, v2;
	v0 =	vmul.f32 $4.999999890e-03, v0  }
0xaa: {  	v1 =	vmul.f32 $4.999999890e-03, v1;
	v3 =	vadd.f32 v4, v3  }
0xab: {  	[tilespmem:s22+$0x12C80] =	vst v0;
	v0 =	vmul.f32 $4.999999890e-03, v2  }
0xac: {  	[tilespmem:s22+$0x12C90] =	vst v1;
	v1 =	vmul.f32 $4.999999890e-03, v3  }
0xad: {  	[tilespmem:s22+$0x12CA0] =	vst v0  }
0xae: {  	s23 =	sadd.s32 @!p0 $0x4B0, s23;
	s24 =	simm.s32 @!p0 $0xC8;
	s25 =	simm.s32 @!p0 $0xC800;
	[tilespmem:s22+$0x12CB0] =	vst v1  }
0xaf: {  	[tilespmem:s25], [sflag:$0x3] =	stream.indirect.gather @!p0 [hbm4b:s3+s24], $0x40, s23, s24, $0xb8;
	[tilespmem:$0x14C00] =	vst v63  }
0xb0: {  	_ =	swait.ge [sflag:s18], $0x3200  }
0xb1: {  	[sflag:s18] =	ssyncset.done $0x0  }
0xb2: {  	s31 =	simm.s32 $0xFA00;
	[sflag:s18] =	ssyncadd.s32 $0xFFFFCE00  }
0xb3: {  	v5 =	vld [tilespmem:s31+$0x80]  }
0xb4: {  	v7 =	vld [tilespmem:s31+$0x90]  }
0xb5: {  	v2 =	vld [tilespmem:s31+$0xA0]  }
0xb6: {  	v3 =	vld [tilespmem:s31+$0xB0]  }
0xb7: {  	v0 =	vld [tilespmem:s31+$0xC0]  }
0xb8: {  	v6 =	vld [tilespmem:s31+$0x0]  }
0xb9: {  	v8 =	vld [tilespmem:s31+$0x10]  }
0xba: {  	v9 =	vld [tilespmem:s31+$0x20]  }
0xbb: {  	v13 =	vld [tilespmem:s31+$0x30]  }
0xbc: {  	v1 =	vld [tilespmem:s31+$0xD0]  }
0xbd: {  	v10 =	vld [tilespmem:s31+$0x40]  }
0xbe: {  	v4 =	vimm.f32 $0.0e+00;
	v12 =	vld [tilespmem:s31+$0x50]  }
0xbf: {  	v11 =	vld [tilespmem:s31+$0x60];
	v6 =	vadd.f32 v6, v4  }
0xc0: {  	v14 =	vld [tilespmem:s31+$0x70];
	v8 =	vadd.f32 v8, v4;
	v17 =	vadd.f32 v9, v4  }
0xc1: {  	v15 =	vld [tilespmem:s31+$0xF0];
	v16 =	vadd.f32 v13, v4;
	v9 =	vimm.f32 $0.0e+00;
	v6 =	vadd.f32 v5, v6  }
0xc2: {  	s23 =	simm.s32 $0x0;
	s24 =	simm.s32 $0xFB00;
	v13 =	vld [tilespmem:s31+$0xE0];
	v5 =	vadd.f32 v7, v8;
	v8 =	vimm.f32 $0.0e+00;
	v7 =	vimm.f32 $0.0e+00  }
.LBB2_9:
0xc3: {  	v18 =	vld [tilespmem:s24+$0x80];
	v17 =	vadd.f32 v2, v17;
	v16 =	vadd.f32 v3, v16  }
0xc4: {  	v4 =	vadd.f32 v10, v4;
	v8 =	vadd.f32 v12, v8;
	v19 =	vld [tilespmem:s24+$0x90]  }
0xc5: {  	v9 =	vadd.f32 v11, v9;
	v2 =	vld [tilespmem:s24+$0xA0];
	v7 =	vadd.f32 v14, v7  }
0xc6: {  	v4 =	vadd.f32 v0, v4;
	v8 =	vadd.f32 v1, v8;
	v3 =	vld [tilespmem:s24+$0xB0]  }
0xc7: {  	v9 =	vadd.f32 v13, v9;
	v0 =	vld [tilespmem:s24+$0xC0];
	v7 =	vadd.f32 v15, v7  }
0xc8: {  	v1 =	vld [tilespmem:s24+$0xD0]  }
0xc9: {  	v13 =	vld [tilespmem:s24+$0x0]  }
0xca: {  	v14 =	vld [tilespmem:s24+$0x10]  }
0xcb: {  	v15 =	vld [tilespmem:s24+$0x20]  }
0xcc: {  	s23 =	sadd.s32 $0x2, s23;
	v20 =	vld [tilespmem:s24+$0x30]  }
0xcd: {  	p1 =	slt.u32 s23, $0x62;
	v10 =	vld [tilespmem:s24+$0x40]  }
.Ltmp5:
0xce: {  	v12 =	vld [tilespmem:s24+$0x50];
	(pc) =	sbr.rel @p1 .LBB2_9-.Ltmp5, $4  }
0xcf: {  	v11 =	vld [tilespmem:s24+$0x60]  }
0xd0: {  	v6 =	vadd.f32 v13, v6;
	v5 =	vadd.f32 v14, v5;
	v14 =	vld [tilespmem:s24+$0x70]  }
0xd1: {  	v17 =	vadd.f32 v15, v17;
	v16 =	vadd.f32 v20, v16;
	v13 =	vld [tilespmem:s24+$0xE0]  }
0xd2: {  	v6 =	vadd.f32 v18, v6;
	v5 =	vadd.f32 v19, v5;
	v15 =	vld [tilespmem:s24+$0xF0];
	s24 =	sadd.s32 $0x100, s24  }
0xd3: {  	v2 =	vadd.f32 v2, v17;
	v4 =	vadd.f32 v10, v4  }
0xd4: {  	v3 =	vadd.f32 v3, v16;
	v8 =	vadd.f32 v12, v8  }
0xd5: {  	v9 =	vadd.f32 v11, v9;
	v0 =	vadd.f32 v0, v4  }
0xd6: {  	v60 =	vadd.f32 v14, v7;
	v1 =	vadd.f32 v1, v8  }
0xd7: {  	v61 =	vadd.f32 v13, v9;
	v0 =	vadd.f32 v0, v6  }
0xd8: {  	v4 =	vadd.f32 v15, v60;
	v1 =	vadd.f32 v1, v5  }
0xd9: {  	v2 =	vadd.f32 v61, v2;
	v0 =	vmul.f32 $4.999999890e-03, v0  }
.Ltmp6:
0xda: {  	v1 =	vmul.f32 $4.999999890e-03, v1;
	v3 =	vadd.f32 v4, v3;
	(pc) =	sbr.rel @p0 .LBB2_12-.Ltmp6, $4  }
0xdb: {  	v62 =	vmul.f32 $4.999999890e-03, v2;
	[tilespmem:s22+$0x12CC0] =	vst v0  }
0xdc: {  	[tilespmem:s22+$0x12CD0] =	vst v1;
	v63 =	vmul.f32 $4.999999890e-03, v3  }
0xdd: {  	[tilespmem:s22+$0x12CE0] =	vst v62  }
0xde: {  	[tilespmem:s22+$0x12CF0] =	vst v63  }
0xdf: {  	s22 =	smul.u32 $0xC80, s21  }
.Ltmp7:
0xe0: {  	_ = 	snop;
	(pc) =	sbr.rel .LBB2_2-.Ltmp7, $4  }
0xe1: {  	_ = 	snop  }
0xe2: {  	s22 =	sshra.s32 s22, $0x2  }
0xe3: {  	s21 =	sadd.s32 $0x1, s21;
	s22 =	sadd.s32 $0x578, s22  }
0xe4: {  	[tilespmem:s14], [sflag:$0x4] =	stream.indirect.gather [hbm4b:s3+s8], $0x40, s22, s8, $0xb8;
	[tilespmem:$0x14C00] =	vst v63  }
.LBB2_13:
0xe5: {  	_ =	sfence.sel $0x180000  }
0xe6: {  	[bflag:$0x0] =	sbarrier.arrive $0xFFFF  }
0xe7: {  	p0 =	sne.s32 s0, $0x0;
	_ =	strace $0x90000047  }
0xe8: {  	s0 =	sadd.s32 @!p0 $0x100000, s1;
	[bflag:$0x2] =	sbarrier.arrive $0xFFFF  }
0xe9: {  	[sflag:s0] =	ssyncadd.tile.s32 @!p0 $0x1;
	_ =	shalt  }
.Lfunc_end2:
_tile_overlayer_lowered:
.L_overlay_start_2:
0xea: {  	(tag) =	ssettag $0x2  }
0xeb: {  	s0 =	rddreg [dreg:$0x0];
	s2 =	stileid.u32  }
0xec: {  	s1 =	rddreg [dreg:$0x1];
	p0 =	sne.s32 s2, $0x0  }
0xed: {  	s3 =	rddreg [dreg:$0x2];
	[bflag:$0x3] =	sbarrier.arrive $0xFFFF;
	s2 =	simm.s32 @!p0 $0x1C05  }
0xee: {  	[timem:s3], [sflag:s2] =	dma.local @!p0 [hbm:s0], s1  }
0xef: {  	s0 =	simm.s32 @!p0 $0x5  }
0xf0: {  	_ =	swait.ge @!p0 [sflag:s0], s1  }
0xf1: {  	s1 =	ssub.s32 @!p0 $0x0, s1;
	[sflag:s0] =	ssyncset.done @!p0 $0x0  }
0xf2: {  	[sflag:s0] =	ssyncadd.s32 @!p0 s1  }
0xf3: {  	[bflag:$0x3] =	sbarrier.arrive $0xFFFF  }
0xf4: {  	_ =	shalt  }

</sc_bundles>
